<compile_context>
chip_gen: v7x
topology: tpu7x:2x2x1
jax: 0.10.2.dev20260603
libtpu: 0.0.44.dev20260713+nightly
codegen_flags: <defaults>
</compile_context>

<pallas_src>
import functools

import numpy as np
import jax
import jax.numpy as jnp
from jax import lax
from jax.experimental import pallas as pl
from jax.experimental.pallas import tpu as pltpu
from jax.experimental.pallas import tpu_sc as plsc

N_FRAG = 800000
N_GENES = 100
CELL_N = 8000
GENE_N = 100
NF = 10
ED = 5
NSEG = CELL_N * GENE_N


R = 1600
GRID = N_FRAG // R


def _tc_body(c0_ref, c1_ref, g_ref, cxg_ref, f_ref, sh_ref, w2t_ref,
             weff_ref, sel_ref, out_ref):
    c0 = c0_ref[:, :]
    c1 = c1_ref[:, :]
    cc = jnp.concatenate(
        [jnp.broadcast_to(c0, (R, 2 * NF)), jnp.broadcast_to(c1, (R, 2 * NF))],
        axis=1)
    emb = jnp.sin(cc * f_ref[:, :] + sh_ref[:, :])
    g = g_ref[:, :]
    oh = (lax.broadcasted_iota(jnp.int32, (R, N_GENES), 1) == g
          ).astype(jnp.float32)
    wg = jnp.dot(oh, w2t_ref[:, :],
                 preferred_element_type=jnp.float32)
    emb5 = jnp.concatenate([emb] * ED, axis=1)
    p = emb5 * wg
    s = jnp.dot(p, sel_ref[:, :], preferred_element_type=jnp.float32)
    fe = jnp.maximum(s, 0.0)
    gp = cxg_ref[:, :] % GENE_N
    ohp = (lax.broadcasted_iota(jnp.int32, (R, GENE_N), 1) == gp
           ).astype(jnp.float32)
    wrow = jnp.dot(ohp, weff_ref[:, :],
                   preferred_element_type=jnp.float32)
    out_ref[:, :] = jnp.sum(fe * wrow, axis=1, keepdims=True)


def _stage1(c0, c1, g2, cxg2, freqs2, shifts2, w2t, weff, sel):
    full = lambda shape: pl.BlockSpec(shape, lambda i: (0, 0))
    blk = lambda shape: pl.BlockSpec(shape, lambda i: (i, 0))
    return pl.pallas_call(
        _tc_body,
        grid=(GRID,),
        in_specs=[
            blk((R, 1)), blk((R, 1)), blk((R, 1)), blk((R, 1)),
            full((1, 4 * NF)), full((1, 4 * NF)),
            full((N_GENES, 4 * NF * ED)), full((N_GENES, ED)),
            full((4 * NF * ED, ED)),
        ],
        out_specs=blk((R, 1)),
        out_shape=jax.ShapeDtypeStruct((N_FRAG, 1), jnp.float32),
    )(c0, c1, g2, cxg2, freqs2, shifts2, w2t, weff, sel)



NC = 2
NS = 16
CH = 10000
FRAG_PER_TILE = N_FRAG // NS
N_CHUNK = FRAG_PER_TILE // CH
SEG_PER_CORE = NSEG // NC
SEG_PER_TILE = SEG_PER_CORE // NS

@functools.cache
def _get_sc_seg():
    mesh = plsc.VectorSubcoreMesh(
        core_axis_name="c", subcore_axis_name="s",
        num_cores=NC, num_subcores=NS)
    return functools.partial(
        pl.kernel,
        mesh=mesh,
        out_type=jax.ShapeDtypeStruct((NSEG,), jnp.float32),
        scratch_types=[
            pltpu.VMEM((CH,), jnp.int32),
            pltpu.VMEM((CH,), jnp.float32),
            pltpu.VMEM((CH,), jnp.float32),
            pltpu.VMEM((CH,), jnp.float32),
            pltpu.VMEM((800,), jnp.float32),
            pltpu.VMEM_SHARED((SEG_PER_CORE,), jnp.float32),
            pltpu.VMEM_SHARED((SEG_PER_CORE,), jnp.float32),
        ],
    )(_sc_seg_body)


def _sc_seg_body(v_hbm, ids_hbm, bias_hbm, out_hbm, idx_b, val_b, ones_b,
                 r_out, bias_v, sums_sh, cnts_sh):
    cid = lax.axis_index("c")
    sid = lax.axis_index("s")
    core_base = cid * SEG_PER_CORE
    sbase = sid * SEG_PER_TILE

    def _zf(j, _):
        val_b[pl.ds(j * 16, 16)] = jnp.zeros((16,), jnp.float32)
        return 0
    lax.fori_loop(0, CH // 16, _zf, 0)
    for off in range(0, SEG_PER_TILE, CH):
        sz = min(CH, SEG_PER_TILE - off)
        pltpu.sync_copy(val_b.at[pl.ds(0, sz)],
                        sums_sh.at[pl.ds(sbase + off, sz)])
        pltpu.sync_copy(val_b.at[pl.ds(0, sz)],
                        cnts_sh.at[pl.ds(sbase + off, sz)])
    pltpu.sync_copy(bias_hbm, bias_v)
    plsc.subcore_barrier()

    frag_base = sid * FRAG_PER_TILE
    for ch in range(N_CHUNK):
        off = frag_base + ch * CH
        pltpu.sync_copy(ids_hbm.at[pl.ds(off, CH)], idx_b)
        pltpu.sync_copy(v_hbm.at[pl.ds(off, CH)], val_b)

        def _prep(j, _):
            sl = pl.ds(j * 16, 16)
            loc = idx_b[sl] - core_base
            inr = (loc >= 0) & (loc < SEG_PER_CORE)
            idx_b[sl] = jnp.where(inr, loc, 0)
            val_b[sl] = jnp.where(inr, val_b[sl], 0.0)
            ones_b[sl] = jnp.where(inr, 1.0, 0.0)
            return 0
        lax.fori_loop(0, CH // 16, _prep, 0)
        pltpu.sync_copy(val_b, sums_sh.at[idx_b], add=True)
        pltpu.sync_copy(ones_b, cnts_sh.at[idx_b], add=True)
    plsc.subcore_barrier()

    seg0 = core_base + sbase
    for off in range(0, SEG_PER_TILE, CH):
        sz = min(CH, SEG_PER_TILE - off)
        pltpu.sync_copy(sums_sh.at[pl.ds(sbase + off, sz)],
                        val_b.at[pl.ds(0, sz)])
        pltpu.sync_copy(cnts_sh.at[pl.ds(sbase + off, sz)],
                        ones_b.at[pl.ds(0, sz)])

        def _rd(j, _, sz=sz, off=off):
            base = jnp.minimum(j * 16, sz - 16)
            sl = pl.ds(base, 16)
            s = val_b[sl]
            c = ones_b[sl]
            b = bias_v[pl.ds((seg0 + off + base) % 400, 16)]
            r_out[sl] = s / jnp.maximum(c, 1.0) + b
            return 0
        lax.fori_loop(0, (sz + 15) // 16, _rd, 0)
        pltpu.sync_copy(r_out.at[pl.ds(0, sz)],
                        out_hbm.at[pl.ds(seg0 + off, sz)])



_FREQS = np.repeat(
    np.array([1.0 / 1000.0 ** (2.0 * i / NF) for i in range(1, NF + 1)],
             dtype=np.float32), 2)
_SHIFTS = np.tile(np.array([0.0, np.pi / 2.0], dtype=np.float32), NF)
_FREQS2 = np.concatenate([_FREQS, _FREQS])[None, :]
_SHIFTS2 = np.concatenate([_SHIFTS, _SHIFTS])[None, :]
_SEL = np.kron(np.eye(ED, dtype=np.float32),
               np.ones((4 * NF, 1), dtype=np.float32))


def kernel(fragment_coordinates, fragment_cellxgene_ix, fragment_gene_ix,
           gene_ix, W_frag, W_expr, bias_expr):
    c0 = fragment_coordinates[:, 0:1]
    c1 = fragment_coordinates[:, 1:2]
    g2 = fragment_gene_ix.reshape(N_FRAG, 1)
    cxg2 = fragment_cellxgene_ix.reshape(N_FRAG, 1)
    w2t = W_frag.transpose(0, 2, 1).reshape(N_GENES, 4 * NF * ED)
    weff = W_expr[gene_ix]
    bias_eff = bias_expr[gene_ix]
    bias_pad = jnp.tile(bias_eff, 8)

    v2d = _stage1(c0, c1, g2, cxg2, jnp.asarray(_FREQS2),
                  jnp.asarray(_SHIFTS2), w2t, weff, jnp.asarray(_SEL))
    out_flat = _get_sc_seg()(v2d.reshape(N_FRAG), fragment_cellxgene_ix,
                             bias_pad)
    return out_flat.reshape(CELL_N, GENE_N)

# --- scband reference (transcript-rebuilt; emitter-appended) ---
"""Pipeline reference for scband-fragments-to-expression-25769803776529 (READ-ONLY COPY).

The authoritative reference and input builder live on the scoring server;
editing this copy changes nothing except your own understanding.
"""

import jax, jax.numpy as jnp
import numpy as np

N_FRAG = 800000
N_GENES = 100
CELL_N = 8000
GENE_N = 100
NF = 10
ED = 5


def _sine_encoding(coords):
    freqs = jnp.asarray(np.repeat(np.array([1.0 / 1000.0 ** (2.0 * i / NF) for i in range(1, NF + 1)], dtype=np.float32), 2))
    shifts = jnp.asarray(np.tile(np.array([0.0, np.pi / 2.0], dtype=np.float32), NF))
    return jnp.sin((coords[..., None] * freqs + shifts).reshape(coords.shape[0], -1))


def setup_inputs(seed: int = 0):
    key = jax.random.key(seed)
    k1, k2, k3, k4, k5, k6 = jax.random.split(key, 6)
    fragment_coordinates = jax.random.normal(k1, (N_FRAG, 2), dtype=jnp.float32)
    fragment_cellxgene_ix = jnp.sort(jax.random.randint(k2, (N_FRAG,), 0, CELL_N * GENE_N, dtype=jnp.int32))
    fragment_gene_ix = jax.random.randint(k3, (N_FRAG,), 0, N_GENES, dtype=jnp.int32)
    gene_ix = jax.random.randint(k4, (GENE_N,), 0, N_GENES, dtype=jnp.int32)
    stdv = 1.0 / np.sqrt(ED) / 100.0
    W_frag = jax.random.uniform(k5, (N_GENES, 4 * NF, ED), minval=-stdv, maxval=stdv, dtype=jnp.float32)
    W_expr = jnp.ones((N_GENES, ED), dtype=jnp.float32)
    bias_expr = jax.random.normal(k6, (N_GENES,), dtype=jnp.float32)
    return {"fragment_coordinates": fragment_coordinates, "fragment_cellxgene_ix": fragment_cellxgene_ix, "fragment_gene_ix": fragment_gene_ix, "gene_ix": gene_ix, "W_frag": W_frag, "W_expr": W_expr, "bias_expr": bias_expr}


def reference(fragment_coordinates, fragment_cellxgene_ix, fragment_gene_ix, gene_ix, W_frag, W_expr, bias_expr):
    # FragmentEmbedder: sine encoding + per-gene linear map + relu
    emb = _sine_encoding(fragment_coordinates)  # [N, 4*NF]
    w = jnp.take(W_frag, fragment_gene_ix, axis=0)  # [N, 4*NF, ED]
    frag_emb = jax.nn.relu(jnp.einsum('nd,nde->ne', emb, w))  # [N, ED]
    # EmbeddingGenePooler: segment_mean_coo over sorted cellxgene ids
    num_seg = CELL_N * GENE_N
    sums = jax.ops.segment_sum(frag_emb, fragment_cellxgene_ix, num_segments=num_seg)
    counts = jax.ops.segment_sum(jnp.ones((frag_emb.shape[0],), jnp.float32), fragment_cellxgene_ix, num_segments=num_seg)
    mean = sums / jnp.maximum(counts, 1.0)[:, None]
    cg = mean.reshape(CELL_N, GENE_N, ED)
    # EmbeddingToExpression: gene-specific linear readout
    out = (cg * jnp.take(W_expr, gene_ix, axis=0)).sum(-1) + jnp.take(bias_expr, gene_ix, axis=0)
    return out

if __name__ == "__main__":
    import jax
    _d = setup_inputs()
    print(jax.jit(kernel)(*tuple(_d.values())))

</pallas_src>

<mosaic_0001>
#map = affine_map<(d0, d1) -> (0)>
module attributes {stable_mosaic.version = 14 : i64} {
  func.func @_sc_seg_body(%arg0: i32, %arg1: i32, %arg2: memref<800000xf32, #tpu.memory_space<hbm>>, %arg3: memref<800000xi32, #tpu.memory_space<hbm>>, %arg4: memref<800xf32, #tpu.memory_space<hbm>>, %arg5: memref<800000xf32, #tpu.memory_space<hbm>>, %arg6: memref<10000xi32, #tpu.memory_space<vmem>>, %arg7: memref<10000xf32, #tpu.memory_space<vmem>>, %arg8: memref<10000xf32, #tpu.memory_space<vmem>>, %arg9: memref<10000xf32, #tpu.memory_space<vmem>>, %arg10: memref<800xf32, #tpu.memory_space<vmem>>, %arg11: memref<400000xf32, #tpu.memory_space<vmem_shared>>, %arg12: memref<400000xf32, #tpu.memory_space<vmem_shared>>) attributes {dimension_semantics = [#tpu.dimension_semantics<core_parallel>, #tpu.dimension_semantics<subcore_parallel>], iteration_bounds = array<i64: 2, 16>, scalar_prefetch = 0 : i64, scratch_operands = 7 : i64, tpu.core_type = #tpu.core_type<sc_vector_subcore>, window_params = [{transform_indices = #map}, {transform_indices = #map}, {transform_indices = #map}, {transform_indices = #map}]} {
    %mul3A = arith.constant 400000 : i32
    %mul3A_0 = arith.muli %arg0, %mul3A : i32
    %mul3A_1 = arith.constant 25000 : i32
    %mul3A_2 = arith.muli %arg1, %mul3A_1 : i32
    %scan3A = arith.constant 0 : i32
    %scan3A_3 = arith.constant 0 : i32
    %scan3A_4 = arith.constant 625 : i32
    %scan3A_5 = arith.addi %scan3A_3, %scan3A_4 : i32
    %scan3A_6 = arith.constant 1 : i32
    %scan3A_7 = scf.for %scan3A_108 = %scan3A_3 to %scan3A_5 step %scan3A_6 iter_args(%scan3A_109 = %scan3A) -> (i32)  : i32 {
      %broadcast_in_dim3A = arith.constant 0.000000e+00 : f32
      %broadcast_in_dim3A_110 = vector.broadcast %broadcast_in_dim3A : f32 to vector<16xf32>
      %mul3A_111 = arith.constant 16 : i32
      %mul3A_112 = arith.muli %scan3A_108, %mul3A_111 : i32
      %swap3A = arith.index_cast %mul3A_112 : i32 to index
      %swap3A_113 = tpu.vector_load %arg7[%swap3A] {strides = array<i32>} : memref<10000xf32, #tpu.memory_space<vmem>>, vector<16xf32>,
      %swap3A_114 = vector.shape_cast %swap3A_113 : vector<16xf32> to vector<16xf32>
      %swap3A_115 = vector.shape_cast %broadcast_in_dim3A_110 : vector<16xf32> to vector<16xf32>
      tpu.vector_store %arg7[%swap3A], %swap3A_115 {strides = array<i32>} : memref<10000xf32, #tpu.memory_space<vmem>>, vector<16xf32>,
      %scan3A_116 = arith.constant 0 : i32
      scf.yield %scan3A_116 : i32
    }
    %scan3A_8 = arith.constant 625 : i32
    %add3A = arith.constant 0 : i32
    %add3A_9 = arith.addi %mul3A_2, %add3A : i32
    "tpu.region"() ({
      %run_scoped3A = tpu.sem_alloc : memref<!tpu.dma_semaphore, #tpu.memory_space<semaphore_mem>>
      %dma_start3A = arith.constant 0 : i32
      %dma_start3A_108 = tpu.memref_slice %arg7[%dma_start3A] : memref<10000xf32, #tpu.memory_space<vmem>> -> memref<10000xf32, #tpu.memory_space<vmem>>
      %dma_start3A_109 = tpu.memref_slice %arg11[%add3A_9] : memref<400000xf32, #tpu.memory_space<vmem_shared>> -> memref<10000xf32, #tpu.memory_space<vmem_shared>>
      %dma_start3A_110 = tpu.memref_slice %arg11[%add3A_9] : memref<400000xf32, #tpu.memory_space<vmem_shared>> -> memref<10000xf32, #tpu.memory_space<vmem_shared>>
      %dma_start3A_111 = arith.constant 0 : i32
      %dma_start3A_112 = tpu.memref_slice %arg7[%dma_start3A_111] : memref<10000xf32, #tpu.memory_space<vmem>> -> memref<10000xf32, #tpu.memory_space<vmem>>
      tpu.enqueue_dma source(%dma_start3A_112 : memref<10000xf32, #tpu.memory_space<vmem>>) target(%dma_start3A_110 : memref<10000xf32, #tpu.memory_space<vmem_shared>>) target_semaphore(%run_scoped3A : memref<!tpu.dma_semaphore, #tpu.memory_space<semaphore_mem>>)
      %dma_wait3A = arith.constant 0 : i32
      %dma_wait3A_113 = tpu.memref_slice %arg7[%dma_wait3A] : memref<10000xf32, #tpu.memory_space<vmem>> -> memref<10000xf32, #tpu.memory_space<vmem>>
      %dma_wait3A_114 = tpu.memref_slice %arg11[%add3A_9] : memref<400000xf32, #tpu.memory_space<vmem_shared>> -> memref<10000xf32, #tpu.memory_space<vmem_shared>>
      %dma_wait3A_115 = tpu.memref_slice %arg11[%add3A_9] : memref<400000xf32, #tpu.memory_space<vmem_shared>> -> memref<10000xf32, #tpu.memory_space<vmem_shared>>
      %dma_wait3A_116 = arith.constant 0 : i32
      %dma_wait3A_117 = tpu.memref_slice %arg7[%dma_wait3A_116] : memref<10000xf32, #tpu.memory_space<vmem>> -> memref<10000xf32, #tpu.memory_space<vmem>>
      tpu.wait_dma2 semaphore(%run_scoped3A : memref<!tpu.dma_semaphore, #tpu.memory_space<semaphore_mem>>) src(%dma_wait3A_117 : memref<10000xf32, #tpu.memory_space<vmem>>) dst(%dma_wait3A_115 : memref<10000xf32, #tpu.memory_space<vmem_shared>>)
      tpu.yield
    }) : () -> ()
    %add3A_10 = arith.constant 0 : i32
    %add3A_11 = arith.addi %mul3A_2, %add3A_10 : i32
    "tpu.region"() ({
      %run_scoped3A = tpu.sem_alloc : memref<!tpu.dma_semaphore, #tpu.memory_space<semaphore_mem>>
      %dma_start3A = arith.constant 0 : i32
      %dma_start3A_108 = tpu.memref_slice %arg7[%dma_start3A] : memref<10000xf32, #tpu.memory_space<vmem>> -> memref<10000xf32, #tpu.memory_space<vmem>>
      %dma_start3A_109 = tpu.memref_slice %arg12[%add3A_11] : memref<400000xf32, #tpu.memory_space<vmem_shared>> -> memref<10000xf32, #tpu.memory_space<vmem_shared>>
      %dma_start3A_110 = tpu.memref_slice %arg12[%add3A_11] : memref<400000xf32, #tpu.memory_space<vmem_shared>> -> memref<10000xf32, #tpu.memory_space<vmem_shared>>
      %dma_start3A_111 = arith.constant 0 : i32
      %dma_start3A_112 = tpu.memref_slice %arg7[%dma_start3A_111] : memref<10000xf32, #tpu.memory_space<vmem>> -> memref<10000xf32, #tpu.memory_space<vmem>>
      tpu.enqueue_dma source(%dma_start3A_112 : memref<10000xf32, #tpu.memory_space<vmem>>) target(%dma_start3A_110 : memref<10000xf32, #tpu.memory_space<vmem_shared>>) target_semaphore(%run_scoped3A : memref<!tpu.dma_semaphore, #tpu.memory_space<semaphore_mem>>)
      %dma_wait3A = arith.constant 0 : i32
      %dma_wait3A_113 = tpu.memref_slice %arg7[%dma_wait3A] : memref<10000xf32, #tpu.memory_space<vmem>> -> memref<10000xf32, #tpu.memory_space<vmem>>
      %dma_wait3A_114 = tpu.memref_slice %arg12[%add3A_11] : memref<400000xf32, #tpu.memory_space<vmem_shared>> -> memref<10000xf32, #tpu.memory_space<vmem_shared>>
      %dma_wait3A_115 = tpu.memref_slice %arg12[%add3A_11] : memref<400000xf32, #tpu.memory_space<vmem_shared>> -> memref<10000xf32, #tpu.memory_space<vmem_shared>>
      %dma_wait3A_116 = arith.constant 0 : i32
      %dma_wait3A_117 = tpu.memref_slice %arg7[%dma_wait3A_116] : memref<10000xf32, #tpu.memory_space<vmem>> -> memref<10000xf32, #tpu.memory_space<vmem>>
      tpu.wait_dma2 semaphore(%run_scoped3A : memref<!tpu.dma_semaphore, #tpu.memory_space<semaphore_mem>>) src(%dma_wait3A_117 : memref<10000xf32, #tpu.memory_space<vmem>>) dst(%dma_wait3A_115 : memref<10000xf32, #tpu.memory_space<vmem_shared>>)
      tpu.yield
    }) : () -> ()
    %add3A_12 = arith.constant 10000 : i32
    %add3A_13 = arith.addi %mul3A_2, %add3A_12 : i32
    "tpu.region"() ({
      %run_scoped3A = tpu.sem_alloc : memref<!tpu.dma_semaphore, #tpu.memory_space<semaphore_mem>>
      %dma_start3A = arith.constant 0 : i32
      %dma_start3A_108 = tpu.memref_slice %arg7[%dma_start3A] : memref<10000xf32, #tpu.memory_space<vmem>> -> memref<10000xf32, #tpu.memory_space<vmem>>
      %dma_start3A_109 = tpu.memref_slice %arg11[%add3A_13] : memref<400000xf32, #tpu.memory_space<vmem_shared>> -> memref<10000xf32, #tpu.memory_space<vmem_shared>>
      %dma_start3A_110 = tpu.memref_slice %arg11[%add3A_13] : memref<400000xf32, #tpu.memory_space<vmem_shared>> -> memref<10000xf32, #tpu.memory_space<vmem_shared>>
      %dma_start3A_111 = arith.constant 0 : i32
      %dma_start3A_112 = tpu.memref_slice %arg7[%dma_start3A_111] : memref<10000xf32, #tpu.memory_space<vmem>> -> memref<10000xf32, #tpu.memory_space<vmem>>
      tpu.enqueue_dma source(%dma_start3A_112 : memref<10000xf32, #tpu.memory_space<vmem>>) target(%dma_start3A_110 : memref<10000xf32, #tpu.memory_space<vmem_shared>>) target_semaphore(%run_scoped3A : memref<!tpu.dma_semaphore, #tpu.memory_space<semaphore_mem>>)
      %dma_wait3A = arith.constant 0 : i32
      %dma_wait3A_113 = tpu.memref_slice %arg7[%dma_wait3A] : memref<10000xf32, #tpu.memory_space<vmem>> -> memref<10000xf32, #tpu.memory_space<vmem>>
      %dma_wait3A_114 = tpu.memref_slice %arg11[%add3A_13] : memref<400000xf32, #tpu.memory_space<vmem_shared>> -> memref<10000xf32, #tpu.memory_space<vmem_shared>>
      %dma_wait3A_115 = tpu.memref_slice %arg11[%add3A_13] : memref<400000xf32, #tpu.memory_space<vmem_shared>> -> memref<10000xf32, #tpu.memory_space<vmem_shared>>
      %dma_wait3A_116 = arith.constant 0 : i32
      %dma_wait3A_117 = tpu.memref_slice %arg7[%dma_wait3A_116] : memref<10000xf32, #tpu.memory_space<vmem>> -> memref<10000xf32, #tpu.memory_space<vmem>>
      tpu.wait_dma2 semaphore(%run_scoped3A : memref<!tpu.dma_semaphore, #tpu.memory_space<semaphore_mem>>) src(%dma_wait3A_117 : memref<10000xf32, #tpu.memory_space<vmem>>) dst(%dma_wait3A_115 : memref<10000xf32, #tpu.memory_space<vmem_shared>>)
      tpu.yield
    }) : () -> ()
    %add3A_14 = arith.constant 10000 : i32
    %add3A_15 = arith.addi %mul3A_2, %add3A_14 : i32
    "tpu.region"() ({
      %run_scoped3A = tpu.sem_alloc : memref<!tpu.dma_semaphore, #tpu.memory_space<semaphore_mem>>
      %dma_start3A = arith.constant 0 : i32
      %dma_start3A_108 = tpu.memref_slice %arg7[%dma_start3A] : memref<10000xf32, #tpu.memory_space<vmem>> -> memref<10000xf32, #tpu.memory_space<vmem>>
      %dma_start3A_109 = tpu.memref_slice %arg12[%add3A_15] : memref<400000xf32, #tpu.memory_space<vmem_shared>> -> memref<10000xf32, #tpu.memory_space<vmem_shared>>
      %dma_start3A_110 = tpu.memref_slice %arg12[%add3A_15] : memref<400000xf32, #tpu.memory_space<vmem_shared>> -> memref<10000xf32, #tpu.memory_space<vmem_shared>>
      %dma_start3A_111 = arith.constant 0 : i32
      %dma_start3A_112 = tpu.memref_slice %arg7[%dma_start3A_111] : memref<10000xf32, #tpu.memory_space<vmem>> -> memref<10000xf32, #tpu.memory_space<vmem>>
      tpu.enqueue_dma source(%dma_start3A_112 : memref<10000xf32, #tpu.memory_space<vmem>>) target(%dma_start3A_110 : memref<10000xf32, #tpu.memory_space<vmem_shared>>) target_semaphore(%run_scoped3A : memref<!tpu.dma_semaphore, #tpu.memory_space<semaphore_mem>>)
      %dma_wait3A = arith.constant 0 : i32
      %dma_wait3A_113 = tpu.memref_slice %arg7[%dma_wait3A] : memref<10000xf32, #tpu.memory_space<vmem>> -> memref<10000xf32, #tpu.memory_space<vmem>>
      %dma_wait3A_114 = tpu.memref_slice %arg12[%add3A_15] : memref<400000xf32, #tpu.memory_space<vmem_shared>> -> memref<10000xf32, #tpu.memory_space<vmem_shared>>
      %dma_wait3A_115 = tpu.memref_slice %arg12[%add3A_15] : memref<400000xf32, #tpu.memory_space<vmem_shared>> -> memref<10000xf32, #tpu.memory_space<vmem_shared>>
      %dma_wait3A_116 = arith.constant 0 : i32
      %dma_wait3A_117 = tpu.memref_slice %arg7[%dma_wait3A_116] : memref<10000xf32, #tpu.memory_space<vmem>> -> memref<10000xf32, #tpu.memory_space<vmem>>
      tpu.wait_dma2 semaphore(%run_scoped3A : memref<!tpu.dma_semaphore, #tpu.memory_space<semaphore_mem>>) src(%dma_wait3A_117 : memref<10000xf32, #tpu.memory_space<vmem>>) dst(%dma_wait3A_115 : memref<10000xf32, #tpu.memory_space<vmem_shared>>)
      tpu.yield
    }) : () -> ()
    %add3A_16 = arith.constant 20000 : i32
    %add3A_17 = arith.addi %mul3A_2, %add3A_16 : i32
    "tpu.region"() ({
      %run_scoped3A = tpu.sem_alloc : memref<!tpu.dma_semaphore, #tpu.memory_space<semaphore_mem>>
      %dma_start3A = arith.constant 0 : i32
      %dma_start3A_108 = tpu.memref_slice %arg7[%dma_start3A] : memref<10000xf32, #tpu.memory_space<vmem>> -> memref<5000xf32, #tpu.memory_space<vmem>>
      %dma_start3A_109 = tpu.memref_slice %arg11[%add3A_17] : memref<400000xf32, #tpu.memory_space<vmem_shared>> -> memref<5000xf32, #tpu.memory_space<vmem_shared>>
      %dma_start3A_110 = tpu.memref_slice %arg11[%add3A_17] : memref<400000xf32, #tpu.memory_space<vmem_shared>> -> memref<5000xf32, #tpu.memory_space<vmem_shared>>
      %dma_start3A_111 = arith.constant 0 : i32
      %dma_start3A_112 = tpu.memref_slice %arg7[%dma_start3A_111] : memref<10000xf32, #tpu.memory_space<vmem>> -> memref<5000xf32, #tpu.memory_space<vmem>>
      tpu.enqueue_dma source(%dma_start3A_112 : memref<5000xf32, #tpu.memory_space<vmem>>) target(%dma_start3A_110 : memref<5000xf32, #tpu.memory_space<vmem_shared>>) target_semaphore(%run_scoped3A : memref<!tpu.dma_semaphore, #tpu.memory_space<semaphore_mem>>)
      %dma_wait3A = arith.constant 0 : i32
      %dma_wait3A_113 = tpu.memref_slice %arg7[%dma_wait3A] : memref<10000xf32, #tpu.memory_space<vmem>> -> memref<5000xf32, #tpu.memory_space<vmem>>
      %dma_wait3A_114 = tpu.memref_slice %arg11[%add3A_17] : memref<400000xf32, #tpu.memory_space<vmem_shared>> -> memref<5000xf32, #tpu.memory_space<vmem_shared>>
      %dma_wait3A_115 = tpu.memref_slice %arg11[%add3A_17] : memref<400000xf32, #tpu.memory_space<vmem_shared>> -> memref<5000xf32, #tpu.memory_space<vmem_shared>>
      %dma_wait3A_116 = arith.constant 0 : i32
      %dma_wait3A_117 = tpu.memref_slice %arg7[%dma_wait3A_116] : memref<10000xf32, #tpu.memory_space<vmem>> -> memref<5000xf32, #tpu.memory_space<vmem>>
      tpu.wait_dma2 semaphore(%run_scoped3A : memref<!tpu.dma_semaphore, #tpu.memory_space<semaphore_mem>>) src(%dma_wait3A_117 : memref<5000xf32, #tpu.memory_space<vmem>>) dst(%dma_wait3A_115 : memref<5000xf32, #tpu.memory_space<vmem_shared>>)
      tpu.yield
    }) : () -> ()
    %add3A_18 = arith.constant 20000 : i32
    %add3A_19 = arith.addi %mul3A_2, %add3A_18 : i32
    "tpu.region"() ({
      %run_scoped3A = tpu.sem_alloc : memref<!tpu.dma_semaphore, #tpu.memory_space<semaphore_mem>>
      %dma_start3A = arith.constant 0 : i32
      %dma_start3A_108 = tpu.memref_slice %arg7[%dma_start3A] : memref<10000xf32, #tpu.memory_space<vmem>> -> memref<5000xf32, #tpu.memory_space<vmem>>
      %dma_start3A_109 = tpu.memref_slice %arg12[%add3A_19] : memref<400000xf32, #tpu.memory_space<vmem_shared>> -> memref<5000xf32, #tpu.memory_space<vmem_shared>>
      %dma_start3A_110 = tpu.memref_slice %arg12[%add3A_19] : memref<400000xf32, #tpu.memory_space<vmem_shared>> -> memref<5000xf32, #tpu.memory_space<vmem_shared>>
      %dma_start3A_111 = arith.constant 0 : i32
      %dma_start3A_112 = tpu.memref_slice %arg7[%dma_start3A_111] : memref<10000xf32, #tpu.memory_space<vmem>> -> memref<5000xf32, #tpu.memory_space<vmem>>
      tpu.enqueue_dma source(%dma_start3A_112 : memref<5000xf32, #tpu.memory_space<vmem>>) target(%dma_start3A_110 : memref<5000xf32, #tpu.memory_space<vmem_shared>>) target_semaphore(%run_scoped3A : memref<!tpu.dma_semaphore, #tpu.memory_space<semaphore_mem>>)
      %dma_wait3A = arith.constant 0 : i32
      %dma_wait3A_113 = tpu.memref_slice %arg7[%dma_wait3A] : memref<10000xf32, #tpu.memory_space<vmem>> -> memref<5000xf32, #tpu.memory_space<vmem>>
      %dma_wait3A_114 = tpu.memref_slice %arg12[%add3A_19] : memref<400000xf32, #tpu.memory_space<vmem_shared>> -> memref<5000xf32, #tpu.memory_space<vmem_shared>>
      %dma_wait3A_115 = tpu.memref_slice %arg12[%add3A_19] : memref<400000xf32, #tpu.memory_space<vmem_shared>> -> memref<5000xf32, #tpu.memory_space<vmem_shared>>
      %dma_wait3A_116 = arith.constant 0 : i32
      %dma_wait3A_117 = tpu.memref_slice %arg7[%dma_wait3A_116] : memref<10000xf32, #tpu.memory_space<vmem>> -> memref<5000xf32, #tpu.memory_space<vmem>>
      tpu.wait_dma2 semaphore(%run_scoped3A : memref<!tpu.dma_semaphore, #tpu.memory_space<semaphore_mem>>) src(%dma_wait3A_117 : memref<5000xf32, #tpu.memory_space<vmem>>) dst(%dma_wait3A_115 : memref<5000xf32, #tpu.memory_space<vmem_shared>>)
      tpu.yield
    }) : () -> ()
    "tpu.region"() ({
      %run_scoped3A = tpu.sem_alloc : memref<!tpu.dma_semaphore, #tpu.memory_space<semaphore_mem>>
      tpu.enqueue_dma source(%arg4 : memref<800xf32, #tpu.memory_space<hbm>>) target(%arg10 : memref<800xf32, #tpu.memory_space<vmem>>) target_semaphore(%run_scoped3A : memref<!tpu.dma_semaphore, #tpu.memory_space<semaphore_mem>>)
      tpu.wait_dma2 semaphore(%run_scoped3A : memref<!tpu.dma_semaphore, #tpu.memory_space<semaphore_mem>>) src(%arg4 : memref<800xf32, #tpu.memory_space<hbm>>) dst(%arg10 : memref<800xf32, #tpu.memory_space<vmem>>)
      tpu.yield
    }) : () -> ()
    %barrier3A = arith.constant 0 : index
    tpu.barrier barrier_id(%barrier3A)
    %mul3A_20 = arith.constant 50000 : i32
    %mul3A_21 = arith.muli %arg1, %mul3A_20 : i32
    %add3A_22 = arith.constant 0 : i32
    %add3A_23 = arith.addi %mul3A_21, %add3A_22 : i32
    "tpu.region"() ({
      %run_scoped3A = tpu.sem_alloc : memref<!tpu.dma_semaphore, #tpu.memory_space<semaphore_mem>>
      %dma_start3A = tpu.memref_slice %arg3[%add3A_23] : memref<800000xi32, #tpu.memory_space<hbm>> -> memref<10000xi32, #tpu.memory_space<hbm>>
      %dma_start3A_108 = tpu.memref_slice %arg3[%add3A_23] : memref<800000xi32, #tpu.memory_space<hbm>> -> memref<10000xi32, #tpu.memory_space<hbm>>
      tpu.enqueue_dma source(%dma_start3A_108 : memref<10000xi32, #tpu.memory_space<hbm>>) target(%arg6 : memref<10000xi32, #tpu.memory_space<vmem>>) target_semaphore(%run_scoped3A : memref<!tpu.dma_semaphore, #tpu.memory_space<semaphore_mem>>)
      %dma_wait3A = tpu.memref_slice %arg3[%add3A_23] : memref<800000xi32, #tpu.memory_space<hbm>> -> memref<10000xi32, #tpu.memory_space<hbm>>
      %dma_wait3A_109 = tpu.memref_slice %arg3[%add3A_23] : memref<800000xi32, #tpu.memory_space<hbm>> -> memref<10000xi32, #tpu.memory_space<hbm>>
      tpu.wait_dma2 semaphore(%run_scoped3A : memref<!tpu.dma_semaphore, #tpu.memory_space<semaphore_mem>>) src(%dma_wait3A_109 : memref<10000xi32, #tpu.memory_space<hbm>>) dst(%arg6 : memref<10000xi32, #tpu.memory_space<vmem>>)
      tpu.yield
    }) : () -> ()
    "tpu.region"() ({
      %run_scoped3A = tpu.sem_alloc : memref<!tpu.dma_semaphore, #tpu.memory_space<semaphore_mem>>
      %dma_start3A = tpu.memref_slice %arg2[%add3A_23] : memref<800000xf32, #tpu.memory_space<hbm>> -> memref<10000xf32, #tpu.memory_space<hbm>>
      %dma_start3A_108 = tpu.memref_slice %arg2[%add3A_23] : memref<800000xf32, #tpu.memory_space<hbm>> -> memref<10000xf32, #tpu.memory_space<hbm>>
      tpu.enqueue_dma source(%dma_start3A_108 : memref<10000xf32, #tpu.memory_space<hbm>>) target(%arg7 : memref<10000xf32, #tpu.memory_space<vmem>>) target_semaphore(%run_scoped3A : memref<!tpu.dma_semaphore, #tpu.memory_space<semaphore_mem>>)
      %dma_wait3A = tpu.memref_slice %arg2[%add3A_23] : memref<800000xf32, #tpu.memory_space<hbm>> -> memref<10000xf32, #tpu.memory_space<hbm>>
      %dma_wait3A_109 = tpu.memref_slice %arg2[%add3A_23] : memref<800000xf32, #tpu.memory_space<hbm>> -> memref<10000xf32, #tpu.memory_space<hbm>>
      tpu.wait_dma2 semaphore(%run_scoped3A : memref<!tpu.dma_semaphore, #tpu.memory_space<semaphore_mem>>) src(%dma_wait3A_109 : memref<10000xf32, #tpu.memory_space<hbm>>) dst(%arg7 : memref<10000xf32, #tpu.memory_space<vmem>>)
      tpu.yield
    }) : () -> ()
    %scan3A_24 = arith.constant 0 : i32
    %scan3A_25 = arith.constant 0 : i32
    %scan3A_26 = arith.constant 625 : i32
    %scan3A_27 = arith.addi %scan3A_25, %scan3A_26 : i32
    %scan3A_28 = arith.constant 1 : i32
    %scan3A_29 = scf.for %scan3A_108 = %scan3A_25 to %scan3A_27 step %scan3A_28 iter_args(%scan3A_109 = %scan3A_24) -> (i32)  : i32 {
      %mul3A_110 = arith.constant 16 : i32
      %mul3A_111 = arith.muli %scan3A_108, %mul3A_110 : i32
      %get3A = arith.index_cast %mul3A_111 : i32 to index
      %get3A_112 = tpu.vector_load %arg6[%get3A] {strides = array<i32>} : memref<10000xi32, #tpu.memory_space<vmem>>, vector<16xi32>,
      %get3A_113 = vector.shape_cast %get3A_112 : vector<16xi32> to vector<16xi32>
      %sub3A = vector.broadcast %mul3A_0 : i32 to vector<16xi32>
      %sub3A_114 = arith.subi %get3A_113, %sub3A : vector<16xi32>
      %ge3A = arith.constant 0 : i32
      %ge3A_115 = vector.broadcast %ge3A : i32 to vector<16xi32>
      %ge3A_116 = arith.cmpi sge, %sub3A_114, %ge3A_115 : vector<16xi32>
      %lt3A = arith.constant 400000 : i32
      %lt3A_117 = vector.broadcast %lt3A : i32 to vector<16xi32>
      %lt3A_118 = arith.cmpi slt, %sub3A_114, %lt3A_117 : vector<16xi32>
      %and3A = arith.andi %ge3A_116, %lt3A_118 : vector<16xi1>
      %jit3A = arith.constant 0 : i32
      %broadcast_in_dim3A = vector.broadcast %jit3A : i32 to vector<16xi32>
      %select_n3A = arith.select %and3A, %sub3A_114, %broadcast_in_dim3A : vector<16xi1>, vector<16xi32>
      %swap3A = arith.index_cast %mul3A_111 : i32 to index
      %swap3A_119 = tpu.vector_load %arg6[%swap3A] {strides = array<i32>} : memref<10000xi32, #tpu.memory_space<vmem>>, vector<16xi32>,
      %swap3A_120 = vector.shape_cast %swap3A_119 : vector<16xi32> to vector<16xi32>
      %swap3A_121 = vector.shape_cast %select_n3A : vector<16xi32> to vector<16xi32>
      tpu.vector_store %arg6[%swap3A], %swap3A_121 {strides = array<i32>} : memref<10000xi32, #tpu.memory_space<vmem>>, vector<16xi32>,
      %get3A_122 = arith.index_cast %mul3A_111 : i32 to index
      %get3A_123 = tpu.vector_load %arg7[%get3A_122] {strides = array<i32>} : memref<10000xf32, #tpu.memory_space<vmem>>, vector<16xf32>,
      %get3A_124 = vector.shape_cast %get3A_123 : vector<16xf32> to vector<16xf32>
      %jit3A_125 = arith.constant 0.000000e+00 : f32
      %broadcast_in_dim3A_126 = vector.broadcast %jit3A_125 : f32 to vector<16xf32>
      %select_n3A_127 = arith.select %and3A, %get3A_124, %broadcast_in_dim3A_126 : vector<16xi1>, vector<16xf32>
      %swap3A_128 = arith.index_cast %mul3A_111 : i32 to index
      %swap3A_129 = tpu.vector_load %arg7[%swap3A_128] {strides = array<i32>} : memref<10000xf32, #tpu.memory_space<vmem>>, vector<16xf32>,
      %swap3A_130 = vector.shape_cast %swap3A_129 : vector<16xf32> to vector<16xf32>
      %swap3A_131 = vector.shape_cast %select_n3A_127 : vector<16xf32> to vector<16xf32>
      tpu.vector_store %arg7[%swap3A_128], %swap3A_131 {strides = array<i32>} : memref<10000xf32, #tpu.memory_space<vmem>>, vector<16xf32>,
      %jit3A_132 = arith.constant 1.000000e+00 : f32
      %jit3A_133 = arith.constant 0.000000e+00 : f32
      %broadcast_in_dim3A_134 = vector.broadcast %jit3A_132 : f32 to vector<16xf32>
      %broadcast_in_dim3A_135 = vector.broadcast %jit3A_133 : f32 to vector<16xf32>
      %select_n3A_136 = arith.select %and3A, %broadcast_in_dim3A_134, %broadcast_in_dim3A_135 : vector<16xi1>, vector<16xf32>
      %swap3A_137 = arith.index_cast %mul3A_111 : i32 to index
      %swap3A_138 = tpu.vector_load %arg8[%swap3A_137] {strides = array<i32>} : memref<10000xf32, #tpu.memory_space<vmem>>, vector<16xf32>,
      %swap3A_139 = vector.shape_cast %swap3A_138 : vector<16xf32> to vector<16xf32>
      %swap3A_140 = vector.shape_cast %select_n3A_136 : vector<16xf32> to vector<16xf32>
      tpu.vector_store %arg8[%swap3A_137], %swap3A_140 {strides = array<i32>} : memref<10000xf32, #tpu.memory_space<vmem>>, vector<16xf32>,
      %scan3A_141 = arith.constant 0 : i32
      scf.yield %scan3A_141 : i32
    }
    %scan3A_30 = arith.constant 625 : i32
    "tpu.region"() ({
      %run_scoped3A = tpu.sem_alloc : memref<!tpu.dma_semaphore, #tpu.memory_space<semaphore_mem>>
      %dma_start3A = arith.constant 0 : i32
      %dma_start3A_108 = tpu.memref_slice %arg11[%dma_start3A] : memref<400000xf32, #tpu.memory_space<vmem_shared>> -> memref<400000xf32, #tpu.memory_space<vmem_shared>>
      tpu.enqueue_indirect_dma source(%arg7 : memref<10000xf32, #tpu.memory_space<vmem>>) target(%dma_start3A_108 : memref<400000xf32, #tpu.memory_space<vmem_shared>>) offsets(%arg6 : memref<10000xi32, #tpu.memory_space<vmem>>) semaphore(%run_scoped3A : memref<!tpu.dma_semaphore, #tpu.memory_space<semaphore_mem>>) {add = true}
      %dma_wait3A = arith.constant 0 : i32
      %dma_wait3A_109 = tpu.memref_slice %arg11[%dma_wait3A] : memref<400000xf32, #tpu.memory_space<vmem_shared>> -> memref<400000xf32, #tpu.memory_space<vmem_shared>>
      tpu.wait_indirect_dma semaphore(%run_scoped3A : memref<!tpu.dma_semaphore, #tpu.memory_space<semaphore_mem>>) src(%arg7 : memref<10000xf32, #tpu.memory_space<vmem>>) dst(%dma_wait3A_109 : memref<400000xf32, #tpu.memory_space<vmem_shared>>)
      tpu.yield
    }) : () -> ()
    "tpu.region"() ({
      %run_scoped3A = tpu.sem_alloc : memref<!tpu.dma_semaphore, #tpu.memory_space<semaphore_mem>>
      %dma_start3A = arith.constant 0 : i32
      %dma_start3A_108 = tpu.memref_slice %arg12[%dma_start3A] : memref<400000xf32, #tpu.memory_space<vmem_shared>> -> memref<400000xf32, #tpu.memory_space<vmem_shared>>
      tpu.enqueue_indirect_dma source(%arg8 : memref<10000xf32, #tpu.memory_space<vmem>>) target(%dma_start3A_108 : memref<400000xf32, #tpu.memory_space<vmem_shared>>) offsets(%arg6 : memref<10000xi32, #tpu.memory_space<vmem>>) semaphore(%run_scoped3A : memref<!tpu.dma_semaphore, #tpu.memory_space<semaphore_mem>>) {add = true}
      %dma_wait3A = arith.constant 0 : i32
      %dma_wait3A_109 = tpu.memref_slice %arg12[%dma_wait3A] : memref<400000xf32, #tpu.memory_space<vmem_shared>> -> memref<400000xf32, #tpu.memory_space<vmem_shared>>
      tpu.wait_indirect_dma semaphore(%run_scoped3A : memref<!tpu.dma_semaphore, #tpu.memory_space<semaphore_mem>>) src(%arg8 : memref<10000xf32, #tpu.memory_space<vmem>>) dst(%dma_wait3A_109 : memref<400000xf32, #tpu.memory_space<vmem_shared>>)
      tpu.yield
    }) : () -> ()
    %add3A_31 = arith.constant 10000 : i32
    %add3A_32 = arith.addi %mul3A_21, %add3A_31 : i32
    "tpu.region"() ({
      %run_scoped3A = tpu.sem_alloc : memref<!tpu.dma_semaphore, #tpu.memory_space<semaphore_mem>>
      %dma_start3A = tpu.memref_slice %arg3[%add3A_32] : memref<800000xi32, #tpu.memory_space<hbm>> -> memref<10000xi32, #tpu.memory_space<hbm>>
      %dma_start3A_108 = tpu.memref_slice %arg3[%add3A_32] : memref<800000xi32, #tpu.memory_space<hbm>> -> memref<10000xi32, #tpu.memory_space<hbm>>
      tpu.enqueue_dma source(%dma_start3A_108 : memref<10000xi32, #tpu.memory_space<hbm>>) target(%arg6 : memref<10000xi32, #tpu.memory_space<vmem>>) target_semaphore(%run_scoped3A : memref<!tpu.dma_semaphore, #tpu.memory_space<semaphore_mem>>)
      %dma_wait3A = tpu.memref_slice %arg3[%add3A_32] : memref<800000xi32, #tpu.memory_space<hbm>> -> memref<10000xi32, #tpu.memory_space<hbm>>
      %dma_wait3A_109 = tpu.memref_slice %arg3[%add3A_32] : memref<800000xi32, #tpu.memory_space<hbm>> -> memref<10000xi32, #tpu.memory_space<hbm>>
      tpu.wait_dma2 semaphore(%run_scoped3A : memref<!tpu.dma_semaphore, #tpu.memory_space<semaphore_mem>>) src(%dma_wait3A_109 : memref<10000xi32, #tpu.memory_space<hbm>>) dst(%arg6 : memref<10000xi32, #tpu.memory_space<vmem>>)
      tpu.yield
    }) : () -> ()
    "tpu.region"() ({
      %run_scoped3A = tpu.sem_alloc : memref<!tpu.dma_semaphore, #tpu.memory_space<semaphore_mem>>
      %dma_start3A = tpu.memref_slice %arg2[%add3A_32] : memref<800000xf32, #tpu.memory_space<hbm>> -> memref<10000xf32, #tpu.memory_space<hbm>>
      %dma_start3A_108 = tpu.memref_slice %arg2[%add3A_32] : memref<800000xf32, #tpu.memory_space<hbm>> -> memref<10000xf32, #tpu.memory_space<hbm>>
      tpu.enqueue_dma source(%dma_start3A_108 : memref<10000xf32, #tpu.memory_space<hbm>>) target(%arg7 : memref<10000xf32, #tpu.memory_space<vmem>>) target_semaphore(%run_scoped3A : memref<!tpu.dma_semaphore, #tpu.memory_space<semaphore_mem>>)
      %dma_wait3A = tpu.memref_slice %arg2[%add3A_32] : memref<800000xf32, #tpu.memory_space<hbm>> -> memref<10000xf32, #tpu.memory_space<hbm>>
      %dma_wait3A_109 = tpu.memref_slice %arg2[%add3A_32] : memref<800000xf32, #tpu.memory_space<hbm>> -> memref<10000xf32, #tpu.memory_space<hbm>>
      tpu.wait_dma2 semaphore(%run_scoped3A : memref<!tpu.dma_semaphore, #tpu.memory_space<semaphore_mem>>) src(%dma_wait3A_109 : memref<10000xf32, #tpu.memory_space<hbm>>) dst(%arg7 : memref<10000xf32, #tpu.memory_space<vmem>>)
      tpu.yield
    }) : () -> ()
    %scan3A_33 = arith.constant 0 : i32
    %scan3A_34 = arith.constant 0 : i32
    %scan3A_35 = arith.constant 625 : i32
    %scan3A_36 = arith.addi %scan3A_34, %scan3A_35 : i32
    %scan3A_37 = arith.constant 1 : i32
    %scan3A_38 = scf.for %scan3A_108 = %scan3A_34 to %scan3A_36 step %scan3A_37 iter_args(%scan3A_109 = %scan3A_33) -> (i32)  : i32 {
      %mul3A_110 = arith.constant 16 : i32
      %mul3A_111 = arith.muli %scan3A_108, %mul3A_110 : i32
      %get3A = arith.index_cast %mul3A_111 : i32 to index
      %get3A_112 = tpu.vector_load %arg6[%get3A] {strides = array<i32>} : memref<10000xi32, #tpu.memory_space<vmem>>, vector<16xi32>,
      %get3A_113 = vector.shape_cast %get3A_112 : vector<16xi32> to vector<16xi32>
      %sub3A = vector.broadcast %mul3A_0 : i32 to vector<16xi32>
      %sub3A_114 = arith.subi %get3A_113, %sub3A : vector<16xi32>
      %ge3A = arith.constant 0 : i32
      %ge3A_115 = vector.broadcast %ge3A : i32 to vector<16xi32>
      %ge3A_116 = arith.cmpi sge, %sub3A_114, %ge3A_115 : vector<16xi32>
      %lt3A = arith.constant 400000 : i32
      %lt3A_117 = vector.broadcast %lt3A : i32 to vector<16xi32>
      %lt3A_118 = arith.cmpi slt, %sub3A_114, %lt3A_117 : vector<16xi32>
      %and3A = arith.andi %ge3A_116, %lt3A_118 : vector<16xi1>
      %jit3A = arith.constant 0 : i32
      %broadcast_in_dim3A = vector.broadcast %jit3A : i32 to vector<16xi32>
      %select_n3A = arith.select %and3A, %sub3A_114, %broadcast_in_dim3A : vector<16xi1>, vector<16xi32>
      %swap3A = arith.index_cast %mul3A_111 : i32 to index
      %swap3A_119 = tpu.vector_load %arg6[%swap3A] {strides = array<i32>} : memref<10000xi32, #tpu.memory_space<vmem>>, vector<16xi32>,
      %swap3A_120 = vector.shape_cast %swap3A_119 : vector<16xi32> to vector<16xi32>
      %swap3A_121 = vector.shape_cast %select_n3A : vector<16xi32> to vector<16xi32>
      tpu.vector_store %arg6[%swap3A], %swap3A_121 {strides = array<i32>} : memref<10000xi32, #tpu.memory_space<vmem>>, vector<16xi32>,
      %get3A_122 = arith.index_cast %mul3A_111 : i32 to index
      %get3A_123 = tpu.vector_load %arg7[%get3A_122] {strides = array<i32>} : memref<10000xf32, #tpu.memory_space<vmem>>, vector<16xf32>,
      %get3A_124 = vector.shape_cast %get3A_123 : vector<16xf32> to vector<16xf32>
      %jit3A_125 = arith.constant 0.000000e+00 : f32
      %broadcast_in_dim3A_126 = vector.broadcast %jit3A_125 : f32 to vector<16xf32>
      %select_n3A_127 = arith.select %and3A, %get3A_124, %broadcast_in_dim3A_126 : vector<16xi1>, vector<16xf32>
      %swap3A_128 = arith.index_cast %mul3A_111 : i32 to index
      %swap3A_129 = tpu.vector_load %arg7[%swap3A_128] {strides = array<i32>} : memref<10000xf32, #tpu.memory_space<vmem>>, vector<16xf32>,
      %swap3A_130 = vector.shape_cast %swap3A_129 : vector<16xf32> to vector<16xf32>
      %swap3A_131 = vector.shape_cast %select_n3A_127 : vector<16xf32> to vector<16xf32>
      tpu.vector_store %arg7[%swap3A_128], %swap3A_131 {strides = array<i32>} : memref<10000xf32, #tpu.memory_space<vmem>>, vector<16xf32>,
      %jit3A_132 = arith.constant 1.000000e+00 : f32
      %jit3A_133 = arith.constant 0.000000e+00 : f32
      %broadcast_in_dim3A_134 = vector.broadcast %jit3A_132 : f32 to vector<16xf32>
      %broadcast_in_dim3A_135 = vector.broadcast %jit3A_133 : f32 to vector<16xf32>
      %select_n3A_136 = arith.select %and3A, %broadcast_in_dim3A_134, %broadcast_in_dim3A_135 : vector<16xi1>, vector<16xf32>
      %swap3A_137 = arith.index_cast %mul3A_111 : i32 to index
      %swap3A_138 = tpu.vector_load %arg8[%swap3A_137] {strides = array<i32>} : memref<10000xf32, #tpu.memory_space<vmem>>, vector<16xf32>,
      %swap3A_139 = vector.shape_cast %swap3A_138 : vector<16xf32> to vector<16xf32>
      %swap3A_140 = vector.shape_cast %select_n3A_136 : vector<16xf32> to vector<16xf32>
      tpu.vector_store %arg8[%swap3A_137], %swap3A_140 {strides = array<i32>} : memref<10000xf32, #tpu.memory_space<vmem>>, vector<16xf32>,
      %scan3A_141 = arith.constant 0 : i32
      scf.yield %scan3A_141 : i32
    }
    %scan3A_39 = arith.constant 625 : i32
    "tpu.region"() ({
      %run_scoped3A = tpu.sem_alloc : memref<!tpu.dma_semaphore, #tpu.memory_space<semaphore_mem>>
      %dma_start3A = arith.constant 0 : i32
      %dma_start3A_108 = tpu.memref_slice %arg11[%dma_start3A] : memref<400000xf32, #tpu.memory_space<vmem_shared>> -> memref<400000xf32, #tpu.memory_space<vmem_shared>>
      tpu.enqueue_indirect_dma source(%arg7 : memref<10000xf32, #tpu.memory_space<vmem>>) target(%dma_start3A_108 : memref<400000xf32, #tpu.memory_space<vmem_shared>>) offsets(%arg6 : memref<10000xi32, #tpu.memory_space<vmem>>) semaphore(%run_scoped3A : memref<!tpu.dma_semaphore, #tpu.memory_space<semaphore_mem>>) {add = true}
      %dma_wait3A = arith.constant 0 : i32
      %dma_wait3A_109 = tpu.memref_slice %arg11[%dma_wait3A] : memref<400000xf32, #tpu.memory_space<vmem_shared>> -> memref<400000xf32, #tpu.memory_space<vmem_shared>>
      tpu.wait_indirect_dma semaphore(%run_scoped3A : memref<!tpu.dma_semaphore, #tpu.memory_space<semaphore_mem>>) src(%arg7 : memref<10000xf32, #tpu.memory_space<vmem>>) dst(%dma_wait3A_109 : memref<400000xf32, #tpu.memory_space<vmem_shared>>)
      tpu.yield
    }) : () -> ()
    "tpu.region"() ({
      %run_scoped3A = tpu.sem_alloc : memref<!tpu.dma_semaphore, #tpu.memory_space<semaphore_mem>>
      %dma_start3A = arith.constant 0 : i32
      %dma_start3A_108 = tpu.memref_slice %arg12[%dma_start3A] : memref<400000xf32, #tpu.memory_space<vmem_shared>> -> memref<400000xf32, #tpu.memory_space<vmem_shared>>
      tpu.enqueue_indirect_dma source(%arg8 : memref<10000xf32, #tpu.memory_space<vmem>>) target(%dma_start3A_108 : memref<400000xf32, #tpu.memory_space<vmem_shared>>) offsets(%arg6 : memref<10000xi32, #tpu.memory_space<vmem>>) semaphore(%run_scoped3A : memref<!tpu.dma_semaphore, #tpu.memory_space<semaphore_mem>>) {add = true}
      %dma_wait3A = arith.constant 0 : i32
      %dma_wait3A_109 = tpu.memref_slice %arg12[%dma_wait3A] : memref<400000xf32, #tpu.memory_space<vmem_shared>> -> memref<400000xf32, #tpu.memory_space<vmem_shared>>
      tpu.wait_indirect_dma semaphore(%run_scoped3A : memref<!tpu.dma_semaphore, #tpu.memory_space<semaphore_mem>>) src(%arg8 : memref<10000xf32, #tpu.memory_space<vmem>>) dst(%dma_wait3A_109 : memref<400000xf32, #tpu.memory_space<vmem_shared>>)
      tpu.yield
    }) : () -> ()
    %add3A_40 = arith.constant 20000 : i32
    %add3A_41 = arith.addi %mul3A_21, %add3A_40 : i32
    "tpu.region"() ({
      %run_scoped3A = tpu.sem_alloc : memref<!tpu.dma_semaphore, #tpu.memory_space<semaphore_mem>>
      %dma_start3A = tpu.memref_slice %arg3[%add3A_41] : memref<800000xi32, #tpu.memory_space<hbm>> -> memref<10000xi32, #tpu.memory_space<hbm>>
      %dma_start3A_108 = tpu.memref_slice %arg3[%add3A_41] : memref<800000xi32, #tpu.memory_space<hbm>> -> memref<10000xi32, #tpu.memory_space<hbm>>
      tpu.enqueue_dma source(%dma_start3A_108 : memref<10000xi32, #tpu.memory_space<hbm>>) target(%arg6 : memref<10000xi32, #tpu.memory_space<vmem>>) target_semaphore(%run_scoped3A : memref<!tpu.dma_semaphore, #tpu.memory_space<semaphore_mem>>)
      %dma_wait3A = tpu.memref_slice %arg3[%add3A_41] : memref<800000xi32, #tpu.memory_space<hbm>> -> memref<10000xi32, #tpu.memory_space<hbm>>
      %dma_wait3A_109 = tpu.memref_slice %arg3[%add3A_41] : memref<800000xi32, #tpu.memory_space<hbm>> -> memref<10000xi32, #tpu.memory_space<hbm>>
      tpu.wait_dma2 semaphore(%run_scoped3A : memref<!tpu.dma_semaphore, #tpu.memory_space<semaphore_mem>>) src(%dma_wait3A_109 : memref<10000xi32, #tpu.memory_space<hbm>>) dst(%arg6 : memref<10000xi32, #tpu.memory_space<vmem>>)
      tpu.yield
    }) : () -> ()
    "tpu.region"() ({
      %run_scoped3A = tpu.sem_alloc : memref<!tpu.dma_semaphore, #tpu.memory_space<semaphore_mem>>
      %dma_start3A = tpu.memref_slice %arg2[%add3A_41] : memref<800000xf32, #tpu.memory_space<hbm>> -> memref<10000xf32, #tpu.memory_space<hbm>>
      %dma_start3A_108 = tpu.memref_slice %arg2[%add3A_41] : memref<800000xf32, #tpu.memory_space<hbm>> -> memref<10000xf32, #tpu.memory_space<hbm>>
      tpu.enqueue_dma source(%dma_start3A_108 : memref<10000xf32, #tpu.memory_space<hbm>>) target(%arg7 : memref<10000xf32, #tpu.memory_space<vmem>>) target_semaphore(%run_scoped3A : memref<!tpu.dma_semaphore, #tpu.memory_space<semaphore_mem>>)
      %dma_wait3A = tpu.memref_slice %arg2[%add3A_41] : memref<800000xf32, #tpu.memory_space<hbm>> -> memref<10000xf32, #tpu.memory_space<hbm>>
      %dma_wait3A_109 = tpu.memref_slice %arg2[%add3A_41] : memref<800000xf32, #tpu.memory_space<hbm>> -> memref<10000xf32, #tpu.memory_space<hbm>>
      tpu.wait_dma2 semaphore(%run_scoped3A : memref<!tpu.dma_semaphore, #tpu.memory_space<semaphore_mem>>) src(%dma_wait3A_109 : memref<10000xf32, #tpu.memory_space<hbm>>) dst(%arg7 : memref<10000xf32, #tpu.memory_space<vmem>>)
      tpu.yield
    }) : () -> ()
    %scan3A_42 = arith.constant 0 : i32
    %scan3A_43 = arith.constant 0 : i32
    %scan3A_44 = arith.constant 625 : i32
    %scan3A_45 = arith.addi %scan3A_43, %scan3A_44 : i32
    %scan3A_46 = arith.constant 1 : i32
    %scan3A_47 = scf.for %scan3A_108 = %scan3A_43 to %scan3A_45 step %scan3A_46 iter_args(%scan3A_109 = %scan3A_42) -> (i32)  : i32 {
      %mul3A_110 = arith.constant 16 : i32
      %mul3A_111 = arith.muli %scan3A_108, %mul3A_110 : i32
      %get3A = arith.index_cast %mul3A_111 : i32 to index
      %get3A_112 = tpu.vector_load %arg6[%get3A] {strides = array<i32>} : memref<10000xi32, #tpu.memory_space<vmem>>, vector<16xi32>,
      %get3A_113 = vector.shape_cast %get3A_112 : vector<16xi32> to vector<16xi32>
      %sub3A = vector.broadcast %mul3A_0 : i32 to vector<16xi32>
      %sub3A_114 = arith.subi %get3A_113, %sub3A : vector<16xi32>
      %ge3A = arith.constant 0 : i32
      %ge3A_115 = vector.broadcast %ge3A : i32 to vector<16xi32>
      %ge3A_116 = arith.cmpi sge, %sub3A_114, %ge3A_115 : vector<16xi32>
      %lt3A = arith.constant 400000 : i32
      %lt3A_117 = vector.broadcast %lt3A : i32 to vector<16xi32>
      %lt3A_118 = arith.cmpi slt, %sub3A_114, %lt3A_117 : vector<16xi32>
      %and3A = arith.andi %ge3A_116, %lt3A_118 : vector<16xi1>
      %jit3A = arith.constant 0 : i32
      %broadcast_in_dim3A = vector.broadcast %jit3A : i32 to vector<16xi32>
      %select_n3A = arith.select %and3A, %sub3A_114, %broadcast_in_dim3A : vector<16xi1>, vector<16xi32>
      %swap3A = arith.index_cast %mul3A_111 : i32 to index
      %swap3A_119 = tpu.vector_load %arg6[%swap3A] {strides = array<i32>} : memref<10000xi32, #tpu.memory_space<vmem>>, vector<16xi32>,
      %swap3A_120 = vector.shape_cast %swap3A_119 : vector<16xi32> to vector<16xi32>
      %swap3A_121 = vector.shape_cast %select_n3A : vector<16xi32> to vector<16xi32>
      tpu.vector_store %arg6[%swap3A], %swap3A_121 {strides = array<i32>} : memref<10000xi32, #tpu.memory_space<vmem>>, vector<16xi32>,
      %get3A_122 = arith.index_cast %mul3A_111 : i32 to index
      %get3A_123 = tpu.vector_load %arg7[%get3A_122] {strides = array<i32>} : memref<10000xf32, #tpu.memory_space<vmem>>, vector<16xf32>,
      %get3A_124 = vector.shape_cast %get3A_123 : vector<16xf32> to vector<16xf32>
      %jit3A_125 = arith.constant 0.000000e+00 : f32
      %broadcast_in_dim3A_126 = vector.broadcast %jit3A_125 : f32 to vector<16xf32>
      %select_n3A_127 = arith.select %and3A, %get3A_124, %broadcast_in_dim3A_126 : vector<16xi1>, vector<16xf32>
      %swap3A_128 = arith.index_cast %mul3A_111 : i32 to index
      %swap3A_129 = tpu.vector_load %arg7[%swap3A_128] {strides = array<i32>} : memref<10000xf32, #tpu.memory_space<vmem>>, vector<16xf32>,
      %swap3A_130 = vector.shape_cast %swap3A_129 : vector<16xf32> to vector<16xf32>
      %swap3A_131 = vector.shape_cast %select_n3A_127 : vector<16xf32> to vector<16xf32>
      tpu.vector_store %arg7[%swap3A_128], %swap3A_131 {strides = array<i32>} : memref<10000xf32, #tpu.memory_space<vmem>>, vector<16xf32>,
      %jit3A_132 = arith.constant 1.000000e+00 : f32
      %jit3A_133 = arith.constant 0.000000e+00 : f32
      %broadcast_in_dim3A_134 = vector.broadcast %jit3A_132 : f32 to vector<16xf32>
      %broadcast_in_dim3A_135 = vector.broadcast %jit3A_133 : f32 to vector<16xf32>
      %select_n3A_136 = arith.select %and3A, %broadcast_in_dim3A_134, %broadcast_in_dim3A_135 : vector<16xi1>, vector<16xf32>
      %swap3A_137 = arith.index_cast %mul3A_111 : i32 to index
      %swap3A_138 = tpu.vector_load %arg8[%swap3A_137] {strides = array<i32>} : memref<10000xf32, #tpu.memory_space<vmem>>, vector<16xf32>,
      %swap3A_139 = vector.shape_cast %swap3A_138 : vector<16xf32> to vector<16xf32>
      %swap3A_140 = vector.shape_cast %select_n3A_136 : vector<16xf32> to vector<16xf32>
      tpu.vector_store %arg8[%swap3A_137], %swap3A_140 {strides = array<i32>} : memref<10000xf32, #tpu.memory_space<vmem>>, vector<16xf32>,
      %scan3A_141 = arith.constant 0 : i32
      scf.yield %scan3A_141 : i32
    }
    %scan3A_48 = arith.constant 625 : i32
    "tpu.region"() ({
      %run_scoped3A = tpu.sem_alloc : memref<!tpu.dma_semaphore, #tpu.memory_space<semaphore_mem>>
      %dma_start3A = arith.constant 0 : i32
      %dma_start3A_108 = tpu.memref_slice %arg11[%dma_start3A] : memref<400000xf32, #tpu.memory_space<vmem_shared>> -> memref<400000xf32, #tpu.memory_space<vmem_shared>>
      tpu.enqueue_indirect_dma source(%arg7 : memref<10000xf32, #tpu.memory_space<vmem>>) target(%dma_start3A_108 : memref<400000xf32, #tpu.memory_space<vmem_shared>>) offsets(%arg6 : memref<10000xi32, #tpu.memory_space<vmem>>) semaphore(%run_scoped3A : memref<!tpu.dma_semaphore, #tpu.memory_space<semaphore_mem>>) {add = true}
      %dma_wait3A = arith.constant 0 : i32
      %dma_wait3A_109 = tpu.memref_slice %arg11[%dma_wait3A] : memref<400000xf32, #tpu.memory_space<vmem_shared>> -> memref<400000xf32, #tpu.memory_space<vmem_shared>>
      tpu.wait_indirect_dma semaphore(%run_scoped3A : memref<!tpu.dma_semaphore, #tpu.memory_space<semaphore_mem>>) src(%arg7 : memref<10000xf32, #tpu.memory_space<vmem>>) dst(%dma_wait3A_109 : memref<400000xf32, #tpu.memory_space<vmem_shared>>)
      tpu.yield
    }) : () -> ()
    "tpu.region"() ({
      %run_scoped3A = tpu.sem_alloc : memref<!tpu.dma_semaphore, #tpu.memory_space<semaphore_mem>>
      %dma_start3A = arith.constant 0 : i32
      %dma_start3A_108 = tpu.memref_slice %arg12[%dma_start3A] : memref<400000xf32, #tpu.memory_space<vmem_shared>> -> memref<400000xf32, #tpu.memory_space<vmem_shared>>
      tpu.enqueue_indirect_dma source(%arg8 : memref<10000xf32, #tpu.memory_space<vmem>>) target(%dma_start3A_108 : memref<400000xf32, #tpu.memory_space<vmem_shared>>) offsets(%arg6 : memref<10000xi32, #tpu.memory_space<vmem>>) semaphore(%run_scoped3A : memref<!tpu.dma_semaphore, #tpu.memory_space<semaphore_mem>>) {add = true}
      %dma_wait3A = arith.constant 0 : i32
      %dma_wait3A_109 = tpu.memref_slice %arg12[%dma_wait3A] : memref<400000xf32, #tpu.memory_space<vmem_shared>> -> memref<400000xf32, #tpu.memory_space<vmem_shared>>
      tpu.wait_indirect_dma semaphore(%run_scoped3A : memref<!tpu.dma_semaphore, #tpu.memory_space<semaphore_mem>>) src(%arg8 : memref<10000xf32, #tpu.memory_space<vmem>>) dst(%dma_wait3A_109 : memref<400000xf32, #tpu.memory_space<vmem_shared>>)
      tpu.yield
    }) : () -> ()
    %add3A_49 = arith.constant 30000 : i32
    %add3A_50 = arith.addi %mul3A_21, %add3A_49 : i32
    "tpu.region"() ({
      %run_scoped3A = tpu.sem_alloc : memref<!tpu.dma_semaphore, #tpu.memory_space<semaphore_mem>>
      %dma_start3A = tpu.memref_slice %arg3[%add3A_50] : memref<800000xi32, #tpu.memory_space<hbm>> -> memref<10000xi32, #tpu.memory_space<hbm>>
      %dma_start3A_108 = tpu.memref_slice %arg3[%add3A_50] : memref<800000xi32, #tpu.memory_space<hbm>> -> memref<10000xi32, #tpu.memory_space<hbm>>
      tpu.enqueue_dma source(%dma_start3A_108 : memref<10000xi32, #tpu.memory_space<hbm>>) target(%arg6 : memref<10000xi32, #tpu.memory_space<vmem>>) target_semaphore(%run_scoped3A : memref<!tpu.dma_semaphore, #tpu.memory_space<semaphore_mem>>)
      %dma_wait3A = tpu.memref_slice %arg3[%add3A_50] : memref<800000xi32, #tpu.memory_space<hbm>> -> memref<10000xi32, #tpu.memory_space<hbm>>
      %dma_wait3A_109 = tpu.memref_slice %arg3[%add3A_50] : memref<800000xi32, #tpu.memory_space<hbm>> -> memref<10000xi32, #tpu.memory_space<hbm>>
      tpu.wait_dma2 semaphore(%run_scoped3A : memref<!tpu.dma_semaphore, #tpu.memory_space<semaphore_mem>>) src(%dma_wait3A_109 : memref<10000xi32, #tpu.memory_space<hbm>>) dst(%arg6 : memref<10000xi32, #tpu.memory_space<vmem>>)
      tpu.yield
    }) : () -> ()
    "tpu.region"() ({
      %run_scoped3A = tpu.sem_alloc : memref<!tpu.dma_semaphore, #tpu.memory_space<semaphore_mem>>
      %dma_start3A = tpu.memref_slice %arg2[%add3A_50] : memref<800000xf32, #tpu.memory_space<hbm>> -> memref<10000xf32, #tpu.memory_space<hbm>>
      %dma_start3A_108 = tpu.memref_slice %arg2[%add3A_50] : memref<800000xf32, #tpu.memory_space<hbm>> -> memref<10000xf32, #tpu.memory_space<hbm>>
      tpu.enqueue_dma source(%dma_start3A_108 : memref<10000xf32, #tpu.memory_space<hbm>>) target(%arg7 : memref<10000xf32, #tpu.memory_space<vmem>>) target_semaphore(%run_scoped3A : memref<!tpu.dma_semaphore, #tpu.memory_space<semaphore_mem>>)
      %dma_wait3A = tpu.memref_slice %arg2[%add3A_50] : memref<800000xf32, #tpu.memory_space<hbm>> -> memref<10000xf32, #tpu.memory_space<hbm>>
      %dma_wait3A_109 = tpu.memref_slice %arg2[%add3A_50] : memref<800000xf32, #tpu.memory_space<hbm>> -> memref<10000xf32, #tpu.memory_space<hbm>>
      tpu.wait_dma2 semaphore(%run_scoped3A : memref<!tpu.dma_semaphore, #tpu.memory_space<semaphore_mem>>) src(%dma_wait3A_109 : memref<10000xf32, #tpu.memory_space<hbm>>) dst(%arg7 : memref<10000xf32, #tpu.memory_space<vmem>>)
      tpu.yield
    }) : () -> ()
    %scan3A_51 = arith.constant 0 : i32
    %scan3A_52 = arith.constant 0 : i32
    %scan3A_53 = arith.constant 625 : i32
    %scan3A_54 = arith.addi %scan3A_52, %scan3A_53 : i32
    %scan3A_55 = arith.constant 1 : i32
    %scan3A_56 = scf.for %scan3A_108 = %scan3A_52 to %scan3A_54 step %scan3A_55 iter_args(%scan3A_109 = %scan3A_51) -> (i32)  : i32 {
      %mul3A_110 = arith.constant 16 : i32
      %mul3A_111 = arith.muli %scan3A_108, %mul3A_110 : i32
      %get3A = arith.index_cast %mul3A_111 : i32 to index
      %get3A_112 = tpu.vector_load %arg6[%get3A] {strides = array<i32>} : memref<10000xi32, #tpu.memory_space<vmem>>, vector<16xi32>,
      %get3A_113 = vector.shape_cast %get3A_112 : vector<16xi32> to vector<16xi32>
      %sub3A = vector.broadcast %mul3A_0 : i32 to vector<16xi32>
      %sub3A_114 = arith.subi %get3A_113, %sub3A : vector<16xi32>
      %ge3A = arith.constant 0 : i32
      %ge3A_115 = vector.broadcast %ge3A : i32 to vector<16xi32>
      %ge3A_116 = arith.cmpi sge, %sub3A_114, %ge3A_115 : vector<16xi32>
      %lt3A = arith.constant 400000 : i32
      %lt3A_117 = vector.broadcast %lt3A : i32 to vector<16xi32>
      %lt3A_118 = arith.cmpi slt, %sub3A_114, %lt3A_117 : vector<16xi32>
      %and3A = arith.andi %ge3A_116, %lt3A_118 : vector<16xi1>
      %jit3A = arith.constant 0 : i32
      %broadcast_in_dim3A = vector.broadcast %jit3A : i32 to vector<16xi32>
      %select_n3A = arith.select %and3A, %sub3A_114, %broadcast_in_dim3A : vector<16xi1>, vector<16xi32>
      %swap3A = arith.index_cast %mul3A_111 : i32 to index
      %swap3A_119 = tpu.vector_load %arg6[%swap3A] {strides = array<i32>} : memref<10000xi32, #tpu.memory_space<vmem>>, vector<16xi32>,
      %swap3A_120 = vector.shape_cast %swap3A_119 : vector<16xi32> to vector<16xi32>
      %swap3A_121 = vector.shape_cast %select_n3A : vector<16xi32> to vector<16xi32>
      tpu.vector_store %arg6[%swap3A], %swap3A_121 {strides = array<i32>} : memref<10000xi32, #tpu.memory_space<vmem>>, vector<16xi32>,
      %get3A_122 = arith.index_cast %mul3A_111 : i32 to index
      %get3A_123 = tpu.vector_load %arg7[%get3A_122] {strides = array<i32>} : memref<10000xf32, #tpu.memory_space<vmem>>, vector<16xf32>,
      %get3A_124 = vector.shape_cast %get3A_123 : vector<16xf32> to vector<16xf32>
      %jit3A_125 = arith.constant 0.000000e+00 : f32
      %broadcast_in_dim3A_126 = vector.broadcast %jit3A_125 : f32 to vector<16xf32>
      %select_n3A_127 = arith.select %and3A, %get3A_124, %broadcast_in_dim3A_126 : vector<16xi1>, vector<16xf32>
      %swap3A_128 = arith.index_cast %mul3A_111 : i32 to index
      %swap3A_129 = tpu.vector_load %arg7[%swap3A_128] {strides = array<i32>} : memref<10000xf32, #tpu.memory_space<vmem>>, vector<16xf32>,
      %swap3A_130 = vector.shape_cast %swap3A_129 : vector<16xf32> to vector<16xf32>
      %swap3A_131 = vector.shape_cast %select_n3A_127 : vector<16xf32> to vector<16xf32>
      tpu.vector_store %arg7[%swap3A_128], %swap3A_131 {strides = array<i32>} : memref<10000xf32, #tpu.memory_space<vmem>>, vector<16xf32>,
      %jit3A_132 = arith.constant 1.000000e+00 : f32
      %jit3A_133 = arith.constant 0.000000e+00 : f32
      %broadcast_in_dim3A_134 = vector.broadcast %jit3A_132 : f32 to vector<16xf32>
      %broadcast_in_dim3A_135 = vector.broadcast %jit3A_133 : f32 to vector<16xf32>
      %select_n3A_136 = arith.select %and3A, %broadcast_in_dim3A_134, %broadcast_in_dim3A_135 : vector<16xi1>, vector<16xf32>
      %swap3A_137 = arith.index_cast %mul3A_111 : i32 to index
      %swap3A_138 = tpu.vector_load %arg8[%swap3A_137] {strides = array<i32>} : memref<10000xf32, #tpu.memory_space<vmem>>, vector<16xf32>,
      %swap3A_139 = vector.shape_cast %swap3A_138 : vector<16xf32> to vector<16xf32>
      %swap3A_140 = vector.shape_cast %select_n3A_136 : vector<16xf32> to vector<16xf32>
      tpu.vector_store %arg8[%swap3A_137], %swap3A_140 {strides = array<i32>} : memref<10000xf32, #tpu.memory_space<vmem>>, vector<16xf32>,
      %scan3A_141 = arith.constant 0 : i32
      scf.yield %scan3A_141 : i32
    }
    %scan3A_57 = arith.constant 625 : i32
    "tpu.region"() ({
      %run_scoped3A = tpu.sem_alloc : memref<!tpu.dma_semaphore, #tpu.memory_space<semaphore_mem>>
      %dma_start3A = arith.constant 0 : i32
      %dma_start3A_108 = tpu.memref_slice %arg11[%dma_start3A] : memref<400000xf32, #tpu.memory_space<vmem_shared>> -> memref<400000xf32, #tpu.memory_space<vmem_shared>>
      tpu.enqueue_indirect_dma source(%arg7 : memref<10000xf32, #tpu.memory_space<vmem>>) target(%dma_start3A_108 : memref<400000xf32, #tpu.memory_space<vmem_shared>>) offsets(%arg6 : memref<10000xi32, #tpu.memory_space<vmem>>) semaphore(%run_scoped3A : memref<!tpu.dma_semaphore, #tpu.memory_space<semaphore_mem>>) {add = true}
      %dma_wait3A = arith.constant 0 : i32
      %dma_wait3A_109 = tpu.memref_slice %arg11[%dma_wait3A] : memref<400000xf32, #tpu.memory_space<vmem_shared>> -> memref<400000xf32, #tpu.memory_space<vmem_shared>>
      tpu.wait_indirect_dma semaphore(%run_scoped3A : memref<!tpu.dma_semaphore, #tpu.memory_space<semaphore_mem>>) src(%arg7 : memref<10000xf32, #tpu.memory_space<vmem>>) dst(%dma_wait3A_109 : memref<400000xf32, #tpu.memory_space<vmem_shared>>)
      tpu.yield
    }) : () -> ()
    "tpu.region"() ({
      %run_scoped3A = tpu.sem_alloc : memref<!tpu.dma_semaphore, #tpu.memory_space<semaphore_mem>>
      %dma_start3A = arith.constant 0 : i32
      %dma_start3A_108 = tpu.memref_slice %arg12[%dma_start3A] : memref<400000xf32, #tpu.memory_space<vmem_shared>> -> memref<400000xf32, #tpu.memory_space<vmem_shared>>
      tpu.enqueue_indirect_dma source(%arg8 : memref<10000xf32, #tpu.memory_space<vmem>>) target(%dma_start3A_108 : memref<400000xf32, #tpu.memory_space<vmem_shared>>) offsets(%arg6 : memref<10000xi32, #tpu.memory_space<vmem>>) semaphore(%run_scoped3A : memref<!tpu.dma_semaphore, #tpu.memory_space<semaphore_mem>>) {add = true}
      %dma_wait3A = arith.constant 0 : i32
      %dma_wait3A_109 = tpu.memref_slice %arg12[%dma_wait3A] : memref<400000xf32, #tpu.memory_space<vmem_shared>> -> memref<400000xf32, #tpu.memory_space<vmem_shared>>
      tpu.wait_indirect_dma semaphore(%run_scoped3A : memref<!tpu.dma_semaphore, #tpu.memory_space<semaphore_mem>>) src(%arg8 : memref<10000xf32, #tpu.memory_space<vmem>>) dst(%dma_wait3A_109 : memref<400000xf32, #tpu.memory_space<vmem_shared>>)
      tpu.yield
    }) : () -> ()
    %add3A_58 = arith.constant 40000 : i32
    %add3A_59 = arith.addi %mul3A_21, %add3A_58 : i32
    "tpu.region"() ({
      %run_scoped3A = tpu.sem_alloc : memref<!tpu.dma_semaphore, #tpu.memory_space<semaphore_mem>>
      %dma_start3A = tpu.memref_slice %arg3[%add3A_59] : memref<800000xi32, #tpu.memory_space<hbm>> -> memref<10000xi32, #tpu.memory_space<hbm>>
      %dma_start3A_108 = tpu.memref_slice %arg3[%add3A_59] : memref<800000xi32, #tpu.memory_space<hbm>> -> memref<10000xi32, #tpu.memory_space<hbm>>
      tpu.enqueue_dma source(%dma_start3A_108 : memref<10000xi32, #tpu.memory_space<hbm>>) target(%arg6 : memref<10000xi32, #tpu.memory_space<vmem>>) target_semaphore(%run_scoped3A : memref<!tpu.dma_semaphore, #tpu.memory_space<semaphore_mem>>)
      %dma_wait3A = tpu.memref_slice %arg3[%add3A_59] : memref<800000xi32, #tpu.memory_space<hbm>> -> memref<10000xi32, #tpu.memory_space<hbm>>
      %dma_wait3A_109 = tpu.memref_slice %arg3[%add3A_59] : memref<800000xi32, #tpu.memory_space<hbm>> -> memref<10000xi32, #tpu.memory_space<hbm>>
      tpu.wait_dma2 semaphore(%run_scoped3A : memref<!tpu.dma_semaphore, #tpu.memory_space<semaphore_mem>>) src(%dma_wait3A_109 : memref<10000xi32, #tpu.memory_space<hbm>>) dst(%arg6 : memref<10000xi32, #tpu.memory_space<vmem>>)
      tpu.yield
    }) : () -> ()
    "tpu.region"() ({
      %run_scoped3A = tpu.sem_alloc : memref<!tpu.dma_semaphore, #tpu.memory_space<semaphore_mem>>
      %dma_start3A = tpu.memref_slice %arg2[%add3A_59] : memref<800000xf32, #tpu.memory_space<hbm>> -> memref<10000xf32, #tpu.memory_space<hbm>>
      %dma_start3A_108 = tpu.memref_slice %arg2[%add3A_59] : memref<800000xf32, #tpu.memory_space<hbm>> -> memref<10000xf32, #tpu.memory_space<hbm>>
      tpu.enqueue_dma source(%dma_start3A_108 : memref<10000xf32, #tpu.memory_space<hbm>>) target(%arg7 : memref<10000xf32, #tpu.memory_space<vmem>>) target_semaphore(%run_scoped3A : memref<!tpu.dma_semaphore, #tpu.memory_space<semaphore_mem>>)
      %dma_wait3A = tpu.memref_slice %arg2[%add3A_59] : memref<800000xf32, #tpu.memory_space<hbm>> -> memref<10000xf32, #tpu.memory_space<hbm>>
      %dma_wait3A_109 = tpu.memref_slice %arg2[%add3A_59] : memref<800000xf32, #tpu.memory_space<hbm>> -> memref<10000xf32, #tpu.memory_space<hbm>>
      tpu.wait_dma2 semaphore(%run_scoped3A : memref<!tpu.dma_semaphore, #tpu.memory_space<semaphore_mem>>) src(%dma_wait3A_109 : memref<10000xf32, #tpu.memory_space<hbm>>) dst(%arg7 : memref<10000xf32, #tpu.memory_space<vmem>>)
      tpu.yield
    }) : () -> ()
    %scan3A_60 = arith.constant 0 : i32
    %scan3A_61 = arith.constant 0 : i32
    %scan3A_62 = arith.constant 625 : i32
    %scan3A_63 = arith.addi %scan3A_61, %scan3A_62 : i32
    %scan3A_64 = arith.constant 1 : i32
    %scan3A_65 = scf.for %scan3A_108 = %scan3A_61 to %scan3A_63 step %scan3A_64 iter_args(%scan3A_109 = %scan3A_60) -> (i32)  : i32 {
      %mul3A_110 = arith.constant 16 : i32
      %mul3A_111 = arith.muli %scan3A_108, %mul3A_110 : i32
      %get3A = arith.index_cast %mul3A_111 : i32 to index
      %get3A_112 = tpu.vector_load %arg6[%get3A] {strides = array<i32>} : memref<10000xi32, #tpu.memory_space<vmem>>, vector<16xi32>,
      %get3A_113 = vector.shape_cast %get3A_112 : vector<16xi32> to vector<16xi32>
      %sub3A = vector.broadcast %mul3A_0 : i32 to vector<16xi32>
      %sub3A_114 = arith.subi %get3A_113, %sub3A : vector<16xi32>
      %ge3A = arith.constant 0 : i32
      %ge3A_115 = vector.broadcast %ge3A : i32 to vector<16xi32>
      %ge3A_116 = arith.cmpi sge, %sub3A_114, %ge3A_115 : vector<16xi32>
      %lt3A = arith.constant 400000 : i32
      %lt3A_117 = vector.broadcast %lt3A : i32 to vector<16xi32>
      %lt3A_118 = arith.cmpi slt, %sub3A_114, %lt3A_117 : vector<16xi32>
      %and3A = arith.andi %ge3A_116, %lt3A_118 : vector<16xi1>
      %jit3A = arith.constant 0 : i32
      %broadcast_in_dim3A = vector.broadcast %jit3A : i32 to vector<16xi32>
      %select_n3A = arith.select %and3A, %sub3A_114, %broadcast_in_dim3A : vector<16xi1>, vector<16xi32>
      %swap3A = arith.index_cast %mul3A_111 : i32 to index
      %swap3A_119 = tpu.vector_load %arg6[%swap3A] {strides = array<i32>} : memref<10000xi32, #tpu.memory_space<vmem>>, vector<16xi32>,
      %swap3A_120 = vector.shape_cast %swap3A_119 : vector<16xi32> to vector<16xi32>
      %swap3A_121 = vector.shape_cast %select_n3A : vector<16xi32> to vector<16xi32>
      tpu.vector_store %arg6[%swap3A], %swap3A_121 {strides = array<i32>} : memref<10000xi32, #tpu.memory_space<vmem>>, vector<16xi32>,
      %get3A_122 = arith.index_cast %mul3A_111 : i32 to index
      %get3A_123 = tpu.vector_load %arg7[%get3A_122] {strides = array<i32>} : memref<10000xf32, #tpu.memory_space<vmem>>, vector<16xf32>,
      %get3A_124 = vector.shape_cast %get3A_123 : vector<16xf32> to vector<16xf32>
      %jit3A_125 = arith.constant 0.000000e+00 : f32
      %broadcast_in_dim3A_126 = vector.broadcast %jit3A_125 : f32 to vector<16xf32>
      %select_n3A_127 = arith.select %and3A, %get3A_124, %broadcast_in_dim3A_126 : vector<16xi1>, vector<16xf32>
      %swap3A_128 = arith.index_cast %mul3A_111 : i32 to index
      %swap3A_129 = tpu.vector_load %arg7[%swap3A_128] {strides = array<i32>} : memref<10000xf32, #tpu.memory_space<vmem>>, vector<16xf32>,
      %swap3A_130 = vector.shape_cast %swap3A_129 : vector<16xf32> to vector<16xf32>
      %swap3A_131 = vector.shape_cast %select_n3A_127 : vector<16xf32> to vector<16xf32>
      tpu.vector_store %arg7[%swap3A_128], %swap3A_131 {strides = array<i32>} : memref<10000xf32, #tpu.memory_space<vmem>>, vector<16xf32>,
      %jit3A_132 = arith.constant 1.000000e+00 : f32
      %jit3A_133 = arith.constant 0.000000e+00 : f32
      %broadcast_in_dim3A_134 = vector.broadcast %jit3A_132 : f32 to vector<16xf32>
      %broadcast_in_dim3A_135 = vector.broadcast %jit3A_133 : f32 to vector<16xf32>
      %select_n3A_136 = arith.select %and3A, %broadcast_in_dim3A_134, %broadcast_in_dim3A_135 : vector<16xi1>, vector<16xf32>
      %swap3A_137 = arith.index_cast %mul3A_111 : i32 to index
      %swap3A_138 = tpu.vector_load %arg8[%swap3A_137] {strides = array<i32>} : memref<10000xf32, #tpu.memory_space<vmem>>, vector<16xf32>,
      %swap3A_139 = vector.shape_cast %swap3A_138 : vector<16xf32> to vector<16xf32>
      %swap3A_140 = vector.shape_cast %select_n3A_136 : vector<16xf32> to vector<16xf32>
      tpu.vector_store %arg8[%swap3A_137], %swap3A_140 {strides = array<i32>} : memref<10000xf32, #tpu.memory_space<vmem>>, vector<16xf32>,
      %scan3A_141 = arith.constant 0 : i32
      scf.yield %scan3A_141 : i32
    }
    %scan3A_66 = arith.constant 625 : i32
    "tpu.region"() ({
      %run_scoped3A = tpu.sem_alloc : memref<!tpu.dma_semaphore, #tpu.memory_space<semaphore_mem>>
      %dma_start3A = arith.constant 0 : i32
      %dma_start3A_108 = tpu.memref_slice %arg11[%dma_start3A] : memref<400000xf32, #tpu.memory_space<vmem_shared>> -> memref<400000xf32, #tpu.memory_space<vmem_shared>>
      tpu.enqueue_indirect_dma source(%arg7 : memref<10000xf32, #tpu.memory_space<vmem>>) target(%dma_start3A_108 : memref<400000xf32, #tpu.memory_space<vmem_shared>>) offsets(%arg6 : memref<10000xi32, #tpu.memory_space<vmem>>) semaphore(%run_scoped3A : memref<!tpu.dma_semaphore, #tpu.memory_space<semaphore_mem>>) {add = true}
      %dma_wait3A = arith.constant 0 : i32
      %dma_wait3A_109 = tpu.memref_slice %arg11[%dma_wait3A] : memref<400000xf32, #tpu.memory_space<vmem_shared>> -> memref<400000xf32, #tpu.memory_space<vmem_shared>>
      tpu.wait_indirect_dma semaphore(%run_scoped3A : memref<!tpu.dma_semaphore, #tpu.memory_space<semaphore_mem>>) src(%arg7 : memref<10000xf32, #tpu.memory_space<vmem>>) dst(%dma_wait3A_109 : memref<400000xf32, #tpu.memory_space<vmem_shared>>)
      tpu.yield
    }) : () -> ()
    "tpu.region"() ({
      %run_scoped3A = tpu.sem_alloc : memref<!tpu.dma_semaphore, #tpu.memory_space<semaphore_mem>>
      %dma_start3A = arith.constant 0 : i32
      %dma_start3A_108 = tpu.memref_slice %arg12[%dma_start3A] : memref<400000xf32, #tpu.memory_space<vmem_shared>> -> memref<400000xf32, #tpu.memory_space<vmem_shared>>
      tpu.enqueue_indirect_dma source(%arg8 : memref<10000xf32, #tpu.memory_space<vmem>>) target(%dma_start3A_108 : memref<400000xf32, #tpu.memory_space<vmem_shared>>) offsets(%arg6 : memref<10000xi32, #tpu.memory_space<vmem>>) semaphore(%run_scoped3A : memref<!tpu.dma_semaphore, #tpu.memory_space<semaphore_mem>>) {add = true}
      %dma_wait3A = arith.constant 0 : i32
      %dma_wait3A_109 = tpu.memref_slice %arg12[%dma_wait3A] : memref<400000xf32, #tpu.memory_space<vmem_shared>> -> memref<400000xf32, #tpu.memory_space<vmem_shared>>
      tpu.wait_indirect_dma semaphore(%run_scoped3A : memref<!tpu.dma_semaphore, #tpu.memory_space<semaphore_mem>>) src(%arg8 : memref<10000xf32, #tpu.memory_space<vmem>>) dst(%dma_wait3A_109 : memref<400000xf32, #tpu.memory_space<vmem_shared>>)
      tpu.yield
    }) : () -> ()
    %barrier3A_67 = arith.constant 0 : index
    tpu.barrier barrier_id(%barrier3A_67)
    %add3A_68 = arith.addi %mul3A_0, %mul3A_2 : i32
    %add3A_69 = arith.constant 0 : i32
    %add3A_70 = arith.addi %mul3A_2, %add3A_69 : i32
    "tpu.region"() ({
      %run_scoped3A = tpu.sem_alloc : memref<!tpu.dma_semaphore, #tpu.memory_space<semaphore_mem>>
      %dma_start3A = arith.constant 0 : i32
      %dma_start3A_108 = tpu.memref_slice %arg7[%dma_start3A] : memref<10000xf32, #tpu.memory_space<vmem>> -> memref<10000xf32, #tpu.memory_space<vmem>>
      %dma_start3A_109 = tpu.memref_slice %arg11[%add3A_70] : memref<400000xf32, #tpu.memory_space<vmem_shared>> -> memref<10000xf32, #tpu.memory_space<vmem_shared>>
      %dma_start3A_110 = arith.constant 0 : i32
      %dma_start3A_111 = tpu.memref_slice %arg7[%dma_start3A_110] : memref<10000xf32, #tpu.memory_space<vmem>> -> memref<10000xf32, #tpu.memory_space<vmem>>
      %dma_start3A_112 = tpu.memref_slice %arg11[%add3A_70] : memref<400000xf32, #tpu.memory_space<vmem_shared>> -> memref<10000xf32, #tpu.memory_space<vmem_shared>>
      tpu.enqueue_dma source(%dma_start3A_112 : memref<10000xf32, #tpu.memory_space<vmem_shared>>) target(%dma_start3A_111 : memref<10000xf32, #tpu.memory_space<vmem>>) target_semaphore(%run_scoped3A : memref<!tpu.dma_semaphore, #tpu.memory_space<semaphore_mem>>)
      %dma_wait3A = arith.constant 0 : i32
      %dma_wait3A_113 = tpu.memref_slice %arg7[%dma_wait3A] : memref<10000xf32, #tpu.memory_space<vmem>> -> memref<10000xf32, #tpu.memory_space<vmem>>
      %dma_wait3A_114 = tpu.memref_slice %arg11[%add3A_70] : memref<400000xf32, #tpu.memory_space<vmem_shared>> -> memref<10000xf32, #tpu.memory_space<vmem_shared>>
      %dma_wait3A_115 = arith.constant 0 : i32
      %dma_wait3A_116 = tpu.memref_slice %arg7[%dma_wait3A_115] : memref<10000xf32, #tpu.memory_space<vmem>> -> memref<10000xf32, #tpu.memory_space<vmem>>
      %dma_wait3A_117 = tpu.memref_slice %arg11[%add3A_70] : memref<400000xf32, #tpu.memory_space<vmem_shared>> -> memref<10000xf32, #tpu.memory_space<vmem_shared>>
      tpu.wait_dma2 semaphore(%run_scoped3A : memref<!tpu.dma_semaphore, #tpu.memory_space<semaphore_mem>>) src(%dma_wait3A_117 : memref<10000xf32, #tpu.memory_space<vmem_shared>>) dst(%dma_wait3A_116 : memref<10000xf32, #tpu.memory_space<vmem>>)
      tpu.yield
    }) : () -> ()
    %add3A_71 = arith.constant 0 : i32
    %add3A_72 = arith.addi %mul3A_2, %add3A_71 : i32
    "tpu.region"() ({
      %run_scoped3A = tpu.sem_alloc : memref<!tpu.dma_semaphore, #tpu.memory_space<semaphore_mem>>
      %dma_start3A = arith.constant 0 : i32
      %dma_start3A_108 = tpu.memref_slice %arg8[%dma_start3A] : memref<10000xf32, #tpu.memory_space<vmem>> -> memref<10000xf32, #tpu.memory_space<vmem>>
      %dma_start3A_109 = tpu.memref_slice %arg12[%add3A_72] : memref<400000xf32, #tpu.memory_space<vmem_shared>> -> memref<10000xf32, #tpu.memory_space<vmem_shared>>
      %dma_start3A_110 = arith.constant 0 : i32
      %dma_start3A_111 = tpu.memref_slice %arg8[%dma_start3A_110] : memref<10000xf32, #tpu.memory_space<vmem>> -> memref<10000xf32, #tpu.memory_space<vmem>>
      %dma_start3A_112 = tpu.memref_slice %arg12[%add3A_72] : memref<400000xf32, #tpu.memory_space<vmem_shared>> -> memref<10000xf32, #tpu.memory_space<vmem_shared>>
      tpu.enqueue_dma source(%dma_start3A_112 : memref<10000xf32, #tpu.memory_space<vmem_shared>>) target(%dma_start3A_111 : memref<10000xf32, #tpu.memory_space<vmem>>) target_semaphore(%run_scoped3A : memref<!tpu.dma_semaphore, #tpu.memory_space<semaphore_mem>>)
      %dma_wait3A = arith.constant 0 : i32
      %dma_wait3A_113 = tpu.memref_slice %arg8[%dma_wait3A] : memref<10000xf32, #tpu.memory_space<vmem>> -> memref<10000xf32, #tpu.memory_space<vmem>>
      %dma_wait3A_114 = tpu.memref_slice %arg12[%add3A_72] : memref<400000xf32, #tpu.memory_space<vmem_shared>> -> memref<10000xf32, #tpu.memory_space<vmem_shared>>
      %dma_wait3A_115 = arith.constant 0 : i32
      %dma_wait3A_116 = tpu.memref_slice %arg8[%dma_wait3A_115] : memref<10000xf32, #tpu.memory_space<vmem>> -> memref<10000xf32, #tpu.memory_space<vmem>>
      %dma_wait3A_117 = tpu.memref_slice %arg12[%add3A_72] : memref<400000xf32, #tpu.memory_space<vmem_shared>> -> memref<10000xf32, #tpu.memory_space<vmem_shared>>
      tpu.wait_dma2 semaphore(%run_scoped3A : memref<!tpu.dma_semaphore, #tpu.memory_space<semaphore_mem>>) src(%dma_wait3A_117 : memref<10000xf32, #tpu.memory_space<vmem_shared>>) dst(%dma_wait3A_116 : memref<10000xf32, #tpu.memory_space<vmem>>)
      tpu.yield
    }) : () -> ()
    %scan3A_73 = arith.constant 0 : i32
    %scan3A_74 = arith.constant 0 : i32
    %scan3A_75 = arith.constant 625 : i32
    %scan3A_76 = arith.addi %scan3A_74, %scan3A_75 : i32
    %scan3A_77 = arith.constant 1 : i32
    %scan3A_78 = scf.for %scan3A_108 = %scan3A_74 to %scan3A_76 step %scan3A_77 iter_args(%scan3A_109 = %scan3A_73) -> (i32)  : i32 {
      %mul3A_110 = arith.constant 16 : i32
      %mul3A_111 = arith.muli %scan3A_108, %mul3A_110 : i32
      %min3A = arith.constant 9984 : i32
      %min3A_112 = arith.minsi %mul3A_111, %min3A : i32
      %get3A = arith.index_cast %min3A_112 : i32 to index
      %get3A_113 = tpu.vector_load %arg7[%get3A] {strides = array<i32>} : memref<10000xf32, #tpu.memory_space<vmem>>, vector<16xf32>,
      %get3A_114 = vector.shape_cast %get3A_113 : vector<16xf32> to vector<16xf32>
      %get3A_115 = arith.index_cast %min3A_112 : i32 to index
      %get3A_116 = tpu.vector_load %arg8[%get3A_115] {strides = array<i32>} : memref<10000xf32, #tpu.memory_space<vmem>>, vector<16xf32>,
      %get3A_117 = vector.shape_cast %get3A_116 : vector<16xf32> to vector<16xf32>
      %add3A_118 = arith.constant 0 : i32
      %add3A_119 = arith.addi %add3A_68, %add3A_118 : i32
      %add3A_120 = arith.addi %add3A_119, %min3A_112 : i32
      %jit3A = arith.constant 400 : i32
      %eq3A = arith.constant 0 : i32
      %eq3A_121 = arith.cmpi eq, %jit3A, %eq3A : i32
      %jit3A_122 = arith.constant 1 : i32
      %select_n3A = arith.select %eq3A_121, %jit3A_122, %jit3A : i32
      %rem3A = arith.remsi %add3A_120, %select_n3A : i32
      %ne3A = arith.constant 0 : i32
      %ne3A_123 = arith.cmpi ne, %rem3A, %ne3A : i32
      %lt3A = arith.constant 0 : i32
      %lt3A_124 = arith.cmpi slt, %rem3A, %lt3A : i32
      %lt3A_125 = arith.constant 0 : i32
      %lt3A_126 = arith.cmpi slt, %select_n3A, %lt3A_125 : i32
      %ne3A_127 = arith.xori %lt3A_124, %lt3A_126 : i1
      %and3A = arith.andi %ne3A_127, %ne3A_123 : i1
      %add3A_128 = arith.addi %rem3A, %select_n3A : i32
      %select_n3A_129 = arith.select %and3A, %add3A_128, %rem3A : i32
      %get3A_130 = arith.index_cast %select_n3A_129 : i32 to index
      %get3A_131 = tpu.vector_load %arg10[%get3A_130] {strides = array<i32>} : memref<800xf32, #tpu.memory_space<vmem>>, vector<16xf32>,
      %get3A_132 = vector.shape_cast %get3A_131 : vector<16xf32> to vector<16xf32>
      %max3A = arith.constant 1.000000e+00 : f32
      %max3A_133 = vector.broadcast %max3A : f32 to vector<16xf32>
      %max3A_134 = arith.maximumf %get3A_117, %max3A_133 : vector<16xf32>
      %div3A = arith.divf %get3A_114, %max3A_134 : vector<16xf32>
      %add3A_135 = arith.addf %div3A, %get3A_132 : vector<16xf32>
      %swap3A = arith.index_cast %min3A_112 : i32 to index
      %swap3A_136 = tpu.vector_load %arg9[%swap3A] {strides = array<i32>} : memref<10000xf32, #tpu.memory_space<vmem>>, vector<16xf32>,
      %swap3A_137 = vector.shape_cast %swap3A_136 : vector<16xf32> to vector<16xf32>
      %swap3A_138 = vector.shape_cast %add3A_135 : vector<16xf32> to vector<16xf32>
      tpu.vector_store %arg9[%swap3A], %swap3A_138 {strides = array<i32>} : memref<10000xf32, #tpu.memory_space<vmem>>, vector<16xf32>,
      %scan3A_139 = arith.constant 0 : i32
      scf.yield %scan3A_139 : i32
    }
    %scan3A_79 = arith.constant 625 : i32
    %add3A_80 = arith.constant 0 : i32
    %add3A_81 = arith.addi %add3A_68, %add3A_80 : i32
    "tpu.region"() ({
      %run_scoped3A = tpu.sem_alloc : memref<!tpu.dma_semaphore, #tpu.memory_space<semaphore_mem>>
      %dma_start3A = arith.constant 0 : i32
      %dma_start3A_108 = tpu.memref_slice %arg9[%dma_start3A] : memref<10000xf32, #tpu.memory_space<vmem>> -> memref<10000xf32, #tpu.memory_space<vmem>>
      %dma_start3A_109 = tpu.memref_slice %arg5[%add3A_81] : memref<800000xf32, #tpu.memory_space<hbm>> -> memref<10000xf32, #tpu.memory_space<hbm>>
      %dma_start3A_110 = tpu.memref_slice %arg5[%add3A_81] : memref<800000xf32, #tpu.memory_space<hbm>> -> memref<10000xf32, #tpu.memory_space<hbm>>
      %dma_start3A_111 = arith.constant 0 : i32
      %dma_start3A_112 = tpu.memref_slice %arg9[%dma_start3A_111] : memref<10000xf32, #tpu.memory_space<vmem>> -> memref<10000xf32, #tpu.memory_space<vmem>>
      tpu.enqueue_dma source(%dma_start3A_112 : memref<10000xf32, #tpu.memory_space<vmem>>) target(%dma_start3A_110 : memref<10000xf32, #tpu.memory_space<hbm>>) target_semaphore(%run_scoped3A : memref<!tpu.dma_semaphore, #tpu.memory_space<semaphore_mem>>)
      %dma_wait3A = arith.constant 0 : i32
      %dma_wait3A_113 = tpu.memref_slice %arg9[%dma_wait3A] : memref<10000xf32, #tpu.memory_space<vmem>> -> memref<10000xf32, #tpu.memory_space<vmem>>
      %dma_wait3A_114 = tpu.memref_slice %arg5[%add3A_81] : memref<800000xf32, #tpu.memory_space<hbm>> -> memref<10000xf32, #tpu.memory_space<hbm>>
      %dma_wait3A_115 = tpu.memref_slice %arg5[%add3A_81] : memref<800000xf32, #tpu.memory_space<hbm>> -> memref<10000xf32, #tpu.memory_space<hbm>>
      %dma_wait3A_116 = arith.constant 0 : i32
      %dma_wait3A_117 = tpu.memref_slice %arg9[%dma_wait3A_116] : memref<10000xf32, #tpu.memory_space<vmem>> -> memref<10000xf32, #tpu.memory_space<vmem>>
      tpu.wait_dma2 semaphore(%run_scoped3A : memref<!tpu.dma_semaphore, #tpu.memory_space<semaphore_mem>>) src(%dma_wait3A_117 : memref<10000xf32, #tpu.memory_space<vmem>>) dst(%dma_wait3A_115 : memref<10000xf32, #tpu.memory_space<hbm>>)
      tpu.yield
    }) : () -> ()
    %add3A_82 = arith.constant 10000 : i32
    %add3A_83 = arith.addi %mul3A_2, %add3A_82 : i32
    "tpu.region"() ({
      %run_scoped3A = tpu.sem_alloc : memref<!tpu.dma_semaphore, #tpu.memory_space<semaphore_mem>>
      %dma_start3A = arith.constant 0 : i32
      %dma_start3A_108 = tpu.memref_slice %arg7[%dma_start3A] : memref<10000xf32, #tpu.memory_space<vmem>> -> memref<10000xf32, #tpu.memory_space<vmem>>
      %dma_start3A_109 = tpu.memref_slice %arg11[%add3A_83] : memref<400000xf32, #tpu.memory_space<vmem_shared>> -> memref<10000xf32, #tpu.memory_space<vmem_shared>>
      %dma_start3A_110 = arith.constant 0 : i32
      %dma_start3A_111 = tpu.memref_slice %arg7[%dma_start3A_110] : memref<10000xf32, #tpu.memory_space<vmem>> -> memref<10000xf32, #tpu.memory_space<vmem>>
      %dma_start3A_112 = tpu.memref_slice %arg11[%add3A_83] : memref<400000xf32, #tpu.memory_space<vmem_shared>> -> memref<10000xf32, #tpu.memory_space<vmem_shared>>
      tpu.enqueue_dma source(%dma_start3A_112 : memref<10000xf32, #tpu.memory_space<vmem_shared>>) target(%dma_start3A_111 : memref<10000xf32, #tpu.memory_space<vmem>>) target_semaphore(%run_scoped3A : memref<!tpu.dma_semaphore, #tpu.memory_space<semaphore_mem>>)
      %dma_wait3A = arith.constant 0 : i32
      %dma_wait3A_113 = tpu.memref_slice %arg7[%dma_wait3A] : memref<10000xf32, #tpu.memory_space<vmem>> -> memref<10000xf32, #tpu.memory_space<vmem>>
      %dma_wait3A_114 = tpu.memref_slice %arg11[%add3A_83] : memref<400000xf32, #tpu.memory_space<vmem_shared>> -> memref<10000xf32, #tpu.memory_space<vmem_shared>>
      %dma_wait3A_115 = arith.constant 0 : i32
      %dma_wait3A_116 = tpu.memref_slice %arg7[%dma_wait3A_115] : memref<10000xf32, #tpu.memory_space<vmem>> -> memref<10000xf32, #tpu.memory_space<vmem>>
      %dma_wait3A_117 = tpu.memref_slice %arg11[%add3A_83] : memref<400000xf32, #tpu.memory_space<vmem_shared>> -> memref<10000xf32, #tpu.memory_space<vmem_shared>>
      tpu.wait_dma2 semaphore(%run_scoped3A : memref<!tpu.dma_semaphore, #tpu.memory_space<semaphore_mem>>) src(%dma_wait3A_117 : memref<10000xf32, #tpu.memory_space<vmem_shared>>) dst(%dma_wait3A_116 : memref<10000xf32, #tpu.memory_space<vmem>>)
      tpu.yield
    }) : () -> ()
    %add3A_84 = arith.constant 10000 : i32
    %add3A_85 = arith.addi %mul3A_2, %add3A_84 : i32
    "tpu.region"() ({
      %run_scoped3A = tpu.sem_alloc : memref<!tpu.dma_semaphore, #tpu.memory_space<semaphore_mem>>
      %dma_start3A = arith.constant 0 : i32
      %dma_start3A_108 = tpu.memref_slice %arg8[%dma_start3A] : memref<10000xf32, #tpu.memory_space<vmem>> -> memref<10000xf32, #tpu.memory_space<vmem>>
      %dma_start3A_109 = tpu.memref_slice %arg12[%add3A_85] : memref<400000xf32, #tpu.memory_space<vmem_shared>> -> memref<10000xf32, #tpu.memory_space<vmem_shared>>
      %dma_start3A_110 = arith.constant 0 : i32
      %dma_start3A_111 = tpu.memref_slice %arg8[%dma_start3A_110] : memref<10000xf32, #tpu.memory_space<vmem>> -> memref<10000xf32, #tpu.memory_space<vmem>>
      %dma_start3A_112 = tpu.memref_slice %arg12[%add3A_85] : memref<400000xf32, #tpu.memory_space<vmem_shared>> -> memref<10000xf32, #tpu.memory_space<vmem_shared>>
      tpu.enqueue_dma source(%dma_start3A_112 : memref<10000xf32, #tpu.memory_space<vmem_shared>>) target(%dma_start3A_111 : memref<10000xf32, #tpu.memory_space<vmem>>) target_semaphore(%run_scoped3A : memref<!tpu.dma_semaphore, #tpu.memory_space<semaphore_mem>>)
      %dma_wait3A = arith.constant 0 : i32
      %dma_wait3A_113 = tpu.memref_slice %arg8[%dma_wait3A] : memref<10000xf32, #tpu.memory_space<vmem>> -> memref<10000xf32, #tpu.memory_space<vmem>>
      %dma_wait3A_114 = tpu.memref_slice %arg12[%add3A_85] : memref<400000xf32, #tpu.memory_space<vmem_shared>> -> memref<10000xf32, #tpu.memory_space<vmem_shared>>
      %dma_wait3A_115 = arith.constant 0 : i32
      %dma_wait3A_116 = tpu.memref_slice %arg8[%dma_wait3A_115] : memref<10000xf32, #tpu.memory_space<vmem>> -> memref<10000xf32, #tpu.memory_space<vmem>>
      %dma_wait3A_117 = tpu.memref_slice %arg12[%add3A_85] : memref<400000xf32, #tpu.memory_space<vmem_shared>> -> memref<10000xf32, #tpu.memory_space<vmem_shared>>
      tpu.wait_dma2 semaphore(%run_scoped3A : memref<!tpu.dma_semaphore, #tpu.memory_space<semaphore_mem>>) src(%dma_wait3A_117 : memref<10000xf32, #tpu.memory_space<vmem_shared>>) dst(%dma_wait3A_116 : memref<10000xf32, #tpu.memory_space<vmem>>)
      tpu.yield
    }) : () -> ()
    %scan3A_86 = arith.constant 0 : i32
    %scan3A_87 = arith.constant 0 : i32
    %scan3A_88 = arith.constant 625 : i32
    %scan3A_89 = arith.addi %scan3A_87, %scan3A_88 : i32
    %scan3A_90 = arith.constant 1 : i32
    %scan3A_91 = scf.for %scan3A_108 = %scan3A_87 to %scan3A_89 step %scan3A_90 iter_args(%scan3A_109 = %scan3A_86) -> (i32)  : i32 {
      %mul3A_110 = arith.constant 16 : i32
      %mul3A_111 = arith.muli %scan3A_108, %mul3A_110 : i32
      %min3A = arith.constant 9984 : i32
      %min3A_112 = arith.minsi %mul3A_111, %min3A : i32
      %get3A = arith.index_cast %min3A_112 : i32 to index
      %get3A_113 = tpu.vector_load %arg7[%get3A] {strides = array<i32>} : memref<10000xf32, #tpu.memory_space<vmem>>, vector<16xf32>,
      %get3A_114 = vector.shape_cast %get3A_113 : vector<16xf32> to vector<16xf32>
      %get3A_115 = arith.index_cast %min3A_112 : i32 to index
      %get3A_116 = tpu.vector_load %arg8[%get3A_115] {strides = array<i32>} : memref<10000xf32, #tpu.memory_space<vmem>>, vector<16xf32>,
      %get3A_117 = vector.shape_cast %get3A_116 : vector<16xf32> to vector<16xf32>
      %add3A_118 = arith.constant 10000 : i32
      %add3A_119 = arith.addi %add3A_68, %add3A_118 : i32
      %add3A_120 = arith.addi %add3A_119, %min3A_112 : i32
      %jit3A = arith.constant 400 : i32
      %eq3A = arith.constant 0 : i32
      %eq3A_121 = arith.cmpi eq, %jit3A, %eq3A : i32
      %jit3A_122 = arith.constant 1 : i32
      %select_n3A = arith.select %eq3A_121, %jit3A_122, %jit3A : i32
      %rem3A = arith.remsi %add3A_120, %select_n3A : i32
      %ne3A = arith.constant 0 : i32
      %ne3A_123 = arith.cmpi ne, %rem3A, %ne3A : i32
      %lt3A = arith.constant 0 : i32
      %lt3A_124 = arith.cmpi slt, %rem3A, %lt3A : i32
      %lt3A_125 = arith.constant 0 : i32
      %lt3A_126 = arith.cmpi slt, %select_n3A, %lt3A_125 : i32
      %ne3A_127 = arith.xori %lt3A_124, %lt3A_126 : i1
      %and3A = arith.andi %ne3A_127, %ne3A_123 : i1
      %add3A_128 = arith.addi %rem3A, %select_n3A : i32
      %select_n3A_129 = arith.select %and3A, %add3A_128, %rem3A : i32
      %get3A_130 = arith.index_cast %select_n3A_129 : i32 to index
      %get3A_131 = tpu.vector_load %arg10[%get3A_130] {strides = array<i32>} : memref<800xf32, #tpu.memory_space<vmem>>, vector<16xf32>,
      %get3A_132 = vector.shape_cast %get3A_131 : vector<16xf32> to vector<16xf32>
      %max3A = arith.constant 1.000000e+00 : f32
      %max3A_133 = vector.broadcast %max3A : f32 to vector<16xf32>
      %max3A_134 = arith.maximumf %get3A_117, %max3A_133 : vector<16xf32>
      %div3A = arith.divf %get3A_114, %max3A_134 : vector<16xf32>
      %add3A_135 = arith.addf %div3A, %get3A_132 : vector<16xf32>
      %swap3A = arith.index_cast %min3A_112 : i32 to index
      %swap3A_136 = tpu.vector_load %arg9[%swap3A] {strides = array<i32>} : memref<10000xf32, #tpu.memory_space<vmem>>, vector<16xf32>,
      %swap3A_137 = vector.shape_cast %swap3A_136 : vector<16xf32> to vector<16xf32>
      %swap3A_138 = vector.shape_cast %add3A_135 : vector<16xf32> to vector<16xf32>
      tpu.vector_store %arg9[%swap3A], %swap3A_138 {strides = array<i32>} : memref<10000xf32, #tpu.memory_space<vmem>>, vector<16xf32>,
      %scan3A_139 = arith.constant 0 : i32
      scf.yield %scan3A_139 : i32
    }
    %scan3A_92 = arith.constant 625 : i32
    %add3A_93 = arith.constant 10000 : i32
    %add3A_94 = arith.addi %add3A_68, %add3A_93 : i32
    "tpu.region"() ({
      %run_scoped3A = tpu.sem_alloc : memref<!tpu.dma_semaphore, #tpu.memory_space<semaphore_mem>>
      %dma_start3A = arith.constant 0 : i32
      %dma_start3A_108 = tpu.memref_slice %arg9[%dma_start3A] : memref<10000xf32, #tpu.memory_space<vmem>> -> memref<10000xf32, #tpu.memory_space<vmem>>
      %dma_start3A_109 = tpu.memref_slice %arg5[%add3A_94] : memref<800000xf32, #tpu.memory_space<hbm>> -> memref<10000xf32, #tpu.memory_space<hbm>>
      %dma_start3A_110 = tpu.memref_slice %arg5[%add3A_94] : memref<800000xf32, #tpu.memory_space<hbm>> -> memref<10000xf32, #tpu.memory_space<hbm>>
      %dma_start3A_111 = arith.constant 0 : i32
      %dma_start3A_112 = tpu.memref_slice %arg9[%dma_start3A_111] : memref<10000xf32, #tpu.memory_space<vmem>> -> memref<10000xf32, #tpu.memory_space<vmem>>
      tpu.enqueue_dma source(%dma_start3A_112 : memref<10000xf32, #tpu.memory_space<vmem>>) target(%dma_start3A_110 : memref<10000xf32, #tpu.memory_space<hbm>>) target_semaphore(%run_scoped3A : memref<!tpu.dma_semaphore, #tpu.memory_space<semaphore_mem>>)
      %dma_wait3A = arith.constant 0 : i32
      %dma_wait3A_113 = tpu.memref_slice %arg9[%dma_wait3A] : memref<10000xf32, #tpu.memory_space<vmem>> -> memref<10000xf32, #tpu.memory_space<vmem>>
      %dma_wait3A_114 = tpu.memref_slice %arg5[%add3A_94] : memref<800000xf32, #tpu.memory_space<hbm>> -> memref<10000xf32, #tpu.memory_space<hbm>>
      %dma_wait3A_115 = tpu.memref_slice %arg5[%add3A_94] : memref<800000xf32, #tpu.memory_space<hbm>> -> memref<10000xf32, #tpu.memory_space<hbm>>
      %dma_wait3A_116 = arith.constant 0 : i32
      %dma_wait3A_117 = tpu.memref_slice %arg9[%dma_wait3A_116] : memref<10000xf32, #tpu.memory_space<vmem>> -> memref<10000xf32, #tpu.memory_space<vmem>>
      tpu.wait_dma2 semaphore(%run_scoped3A : memref<!tpu.dma_semaphore, #tpu.memory_space<semaphore_mem>>) src(%dma_wait3A_117 : memref<10000xf32, #tpu.memory_space<vmem>>) dst(%dma_wait3A_115 : memref<10000xf32, #tpu.memory_space<hbm>>)
      tpu.yield
    }) : () -> ()
    %add3A_95 = arith.constant 20000 : i32
    %add3A_96 = arith.addi %mul3A_2, %add3A_95 : i32
    "tpu.region"() ({
      %run_scoped3A = tpu.sem_alloc : memref<!tpu.dma_semaphore, #tpu.memory_space<semaphore_mem>>
      %dma_start3A = arith.constant 0 : i32
      %dma_start3A_108 = tpu.memref_slice %arg7[%dma_start3A] : memref<10000xf32, #tpu.memory_space<vmem>> -> memref<5000xf32, #tpu.memory_space<vmem>>
      %dma_start3A_109 = tpu.memref_slice %arg11[%add3A_96] : memref<400000xf32, #tpu.memory_space<vmem_shared>> -> memref<5000xf32, #tpu.memory_space<vmem_shared>>
      %dma_start3A_110 = arith.constant 0 : i32
      %dma_start3A_111 = tpu.memref_slice %arg7[%dma_start3A_110] : memref<10000xf32, #tpu.memory_space<vmem>> -> memref<5000xf32, #tpu.memory_space<vmem>>
      %dma_start3A_112 = tpu.memref_slice %arg11[%add3A_96] : memref<400000xf32, #tpu.memory_space<vmem_shared>> -> memref<5000xf32, #tpu.memory_space<vmem_shared>>
      tpu.enqueue_dma source(%dma_start3A_112 : memref<5000xf32, #tpu.memory_space<vmem_shared>>) target(%dma_start3A_111 : memref<5000xf32, #tpu.memory_space<vmem>>) target_semaphore(%run_scoped3A : memref<!tpu.dma_semaphore, #tpu.memory_space<semaphore_mem>>)
      %dma_wait3A = arith.constant 0 : i32
      %dma_wait3A_113 = tpu.memref_slice %arg7[%dma_wait3A] : memref<10000xf32, #tpu.memory_space<vmem>> -> memref<5000xf32, #tpu.memory_space<vmem>>
      %dma_wait3A_114 = tpu.memref_slice %arg11[%add3A_96] : memref<400000xf32, #tpu.memory_space<vmem_shared>> -> memref<5000xf32, #tpu.memory_space<vmem_shared>>
      %dma_wait3A_115 = arith.constant 0 : i32
      %dma_wait3A_116 = tpu.memref_slice %arg7[%dma_wait3A_115] : memref<10000xf32, #tpu.memory_space<vmem>> -> memref<5000xf32, #tpu.memory_space<vmem>>
      %dma_wait3A_117 = tpu.memref_slice %arg11[%add3A_96] : memref<400000xf32, #tpu.memory_space<vmem_shared>> -> memref<5000xf32, #tpu.memory_space<vmem_shared>>
      tpu.wait_dma2 semaphore(%run_scoped3A : memref<!tpu.dma_semaphore, #tpu.memory_space<semaphore_mem>>) src(%dma_wait3A_117 : memref<5000xf32, #tpu.memory_space<vmem_shared>>) dst(%dma_wait3A_116 : memref<5000xf32, #tpu.memory_space<vmem>>)
      tpu.yield
    }) : () -> ()
    %add3A_97 = arith.constant 20000 : i32
    %add3A_98 = arith.addi %mul3A_2, %add3A_97 : i32
    "tpu.region"() ({
      %run_scoped3A = tpu.sem_alloc : memref<!tpu.dma_semaphore, #tpu.memory_space<semaphore_mem>>
      %dma_start3A = arith.constant 0 : i32
      %dma_start3A_108 = tpu.memref_slice %arg8[%dma_start3A] : memref<10000xf32, #tpu.memory_space<vmem>> -> memref<5000xf32, #tpu.memory_space<vmem>>
      %dma_start3A_109 = tpu.memref_slice %arg12[%add3A_98] : memref<400000xf32, #tpu.memory_space<vmem_shared>> -> memref<5000xf32, #tpu.memory_space<vmem_shared>>
      %dma_start3A_110 = arith.constant 0 : i32
      %dma_start3A_111 = tpu.memref_slice %arg8[%dma_start3A_110] : memref<10000xf32, #tpu.memory_space<vmem>> -> memref<5000xf32, #tpu.memory_space<vmem>>
      %dma_start3A_112 = tpu.memref_slice %arg12[%add3A_98] : memref<400000xf32, #tpu.memory_space<vmem_shared>> -> memref<5000xf32, #tpu.memory_space<vmem_shared>>
      tpu.enqueue_dma source(%dma_start3A_112 : memref<5000xf32, #tpu.memory_space<vmem_shared>>) target(%dma_start3A_111 : memref<5000xf32, #tpu.memory_space<vmem>>) target_semaphore(%run_scoped3A : memref<!tpu.dma_semaphore, #tpu.memory_space<semaphore_mem>>)
      %dma_wait3A = arith.constant 0 : i32
      %dma_wait3A_113 = tpu.memref_slice %arg8[%dma_wait3A] : memref<10000xf32, #tpu.memory_space<vmem>> -> memref<5000xf32, #tpu.memory_space<vmem>>
      %dma_wait3A_114 = tpu.memref_slice %arg12[%add3A_98] : memref<400000xf32, #tpu.memory_space<vmem_shared>> -> memref<5000xf32, #tpu.memory_space<vmem_shared>>
      %dma_wait3A_115 = arith.constant 0 : i32
      %dma_wait3A_116 = tpu.memref_slice %arg8[%dma_wait3A_115] : memref<10000xf32, #tpu.memory_space<vmem>> -> memref<5000xf32, #tpu.memory_space<vmem>>
      %dma_wait3A_117 = tpu.memref_slice %arg12[%add3A_98] : memref<400000xf32, #tpu.memory_space<vmem_shared>> -> memref<5000xf32, #tpu.memory_space<vmem_shared>>
      tpu.wait_dma2 semaphore(%run_scoped3A : memref<!tpu.dma_semaphore, #tpu.memory_space<semaphore_mem>>) src(%dma_wait3A_117 : memref<5000xf32, #tpu.memory_space<vmem_shared>>) dst(%dma_wait3A_116 : memref<5000xf32, #tpu.memory_space<vmem>>)
      tpu.yield
    }) : () -> ()
    %scan3A_99 = arith.constant 0 : i32
    %scan3A_100 = arith.constant 0 : i32
    %scan3A_101 = arith.constant 313 : i32
    %scan3A_102 = arith.addi %scan3A_100, %scan3A_101 : i32
    %scan3A_103 = arith.constant 1 : i32
    %scan3A_104 = scf.for %scan3A_108 = %scan3A_100 to %scan3A_102 step %scan3A_103 iter_args(%scan3A_109 = %scan3A_99) -> (i32)  : i32 {
      %mul3A_110 = arith.constant 16 : i32
      %mul3A_111 = arith.muli %scan3A_108, %mul3A_110 : i32
      %min3A = arith.constant 4984 : i32
      %min3A_112 = arith.minsi %mul3A_111, %min3A : i32
      %get3A = arith.index_cast %min3A_112 : i32 to index
      %get3A_113 = tpu.vector_load %arg7[%get3A] {strides = array<i32>} : memref<10000xf32, #tpu.memory_space<vmem>>, vector<16xf32>,
      %get3A_114 = vector.shape_cast %get3A_113 : vector<16xf32> to vector<16xf32>
      %get3A_115 = arith.index_cast %min3A_112 : i32 to index
      %get3A_116 = tpu.vector_load %arg8[%get3A_115] {strides = array<i32>} : memref<10000xf32, #tpu.memory_space<vmem>>, vector<16xf32>,
      %get3A_117 = vector.shape_cast %get3A_116 : vector<16xf32> to vector<16xf32>
      %add3A_118 = arith.constant 20000 : i32
      %add3A_119 = arith.addi %add3A_68, %add3A_118 : i32
      %add3A_120 = arith.addi %add3A_119, %min3A_112 : i32
      %jit3A = arith.constant 400 : i32
      %eq3A = arith.constant 0 : i32
      %eq3A_121 = arith.cmpi eq, %jit3A, %eq3A : i32
      %jit3A_122 = arith.constant 1 : i32
      %select_n3A = arith.select %eq3A_121, %jit3A_122, %jit3A : i32
      %rem3A = arith.remsi %add3A_120, %select_n3A : i32
      %ne3A = arith.constant 0 : i32
      %ne3A_123 = arith.cmpi ne, %rem3A, %ne3A : i32
      %lt3A = arith.constant 0 : i32
      %lt3A_124 = arith.cmpi slt, %rem3A, %lt3A : i32
      %lt3A_125 = arith.constant 0 : i32
      %lt3A_126 = arith.cmpi slt, %select_n3A, %lt3A_125 : i32
      %ne3A_127 = arith.xori %lt3A_124, %lt3A_126 : i1
      %and3A = arith.andi %ne3A_127, %ne3A_123 : i1
      %add3A_128 = arith.addi %rem3A, %select_n3A : i32
      %select_n3A_129 = arith.select %and3A, %add3A_128, %rem3A : i32
      %get3A_130 = arith.index_cast %select_n3A_129 : i32 to index
      %get3A_131 = tpu.vector_load %arg10[%get3A_130] {strides = array<i32>} : memref<800xf32, #tpu.memory_space<vmem>>, vector<16xf32>,
      %get3A_132 = vector.shape_cast %get3A_131 : vector<16xf32> to vector<16xf32>
      %max3A = arith.constant 1.000000e+00 : f32
      %max3A_133 = vector.broadcast %max3A : f32 to vector<16xf32>
      %max3A_134 = arith.maximumf %get3A_117, %max3A_133 : vector<16xf32>
      %div3A = arith.divf %get3A_114, %max3A_134 : vector<16xf32>
      %add3A_135 = arith.addf %div3A, %get3A_132 : vector<16xf32>
      %swap3A = arith.index_cast %min3A_112 : i32 to index
      %swap3A_136 = tpu.vector_load %arg9[%swap3A] {strides = array<i32>} : memref<10000xf32, #tpu.memory_space<vmem>>, vector<16xf32>,
      %swap3A_137 = vector.shape_cast %swap3A_136 : vector<16xf32> to vector<16xf32>
      %swap3A_138 = vector.shape_cast %add3A_135 : vector<16xf32> to vector<16xf32>
      tpu.vector_store %arg9[%swap3A], %swap3A_138 {strides = array<i32>} : memref<10000xf32, #tpu.memory_space<vmem>>, vector<16xf32>,
      %scan3A_139 = arith.constant 0 : i32
      scf.yield %scan3A_139 : i32
    }
    %scan3A_105 = arith.constant 313 : i32
    %add3A_106 = arith.constant 20000 : i32
    %add3A_107 = arith.addi %add3A_68, %add3A_106 : i32
    "tpu.region"() ({
      %run_scoped3A = tpu.sem_alloc : memref<!tpu.dma_semaphore, #tpu.memory_space<semaphore_mem>>
      %dma_start3A = arith.constant 0 : i32
      %dma_start3A_108 = tpu.memref_slice %arg9[%dma_start3A] : memref<10000xf32, #tpu.memory_space<vmem>> -> memref<5000xf32, #tpu.memory_space<vmem>>
      %dma_start3A_109 = tpu.memref_slice %arg5[%add3A_107] : memref<800000xf32, #tpu.memory_space<hbm>> -> memref<5000xf32, #tpu.memory_space<hbm>>
      %dma_start3A_110 = tpu.memref_slice %arg5[%add3A_107] : memref<800000xf32, #tpu.memory_space<hbm>> -> memref<5000xf32, #tpu.memory_space<hbm>>
      %dma_start3A_111 = arith.constant 0 : i32
      %dma_start3A_112 = tpu.memref_slice %arg9[%dma_start3A_111] : memref<10000xf32, #tpu.memory_space<vmem>> -> memref<5000xf32, #tpu.memory_space<vmem>>
      tpu.enqueue_dma source(%dma_start3A_112 : memref<5000xf32, #tpu.memory_space<vmem>>) target(%dma_start3A_110 : memref<5000xf32, #tpu.memory_space<hbm>>) target_semaphore(%run_scoped3A : memref<!tpu.dma_semaphore, #tpu.memory_space<semaphore_mem>>)
      %dma_wait3A = arith.constant 0 : i32
      %dma_wait3A_113 = tpu.memref_slice %arg9[%dma_wait3A] : memref<10000xf32, #tpu.memory_space<vmem>> -> memref<5000xf32, #tpu.memory_space<vmem>>
      %dma_wait3A_114 = tpu.memref_slice %arg5[%add3A_107] : memref<800000xf32, #tpu.memory_space<hbm>> -> memref<5000xf32, #tpu.memory_space<hbm>>
      %dma_wait3A_115 = tpu.memref_slice %arg5[%add3A_107] : memref<800000xf32, #tpu.memory_space<hbm>> -> memref<5000xf32, #tpu.memory_space<hbm>>
      %dma_wait3A_116 = arith.constant 0 : i32
      %dma_wait3A_117 = tpu.memref_slice %arg9[%dma_wait3A_116] : memref<10000xf32, #tpu.memory_space<vmem>> -> memref<5000xf32, #tpu.memory_space<vmem>>
      tpu.wait_dma2 semaphore(%run_scoped3A : memref<!tpu.dma_semaphore, #tpu.memory_space<semaphore_mem>>) src(%dma_wait3A_117 : memref<5000xf32, #tpu.memory_space<vmem>>) dst(%dma_wait3A_115 : memref<5000xf32, #tpu.memory_space<hbm>>)
      tpu.yield
    }) : () -> ()
    return
  }
}

module attributes {stable_mosaic.version = 14 : i64} {
  func.func @_tc_body(%arg0: i32, %arg1: memref<1600x1xf32, #tpu.memory_space<vmem>>, %arg2: memref<1600x1xf32, #tpu.memory_space<vmem>>, %arg3: memref<1600x1xi32, #tpu.memory_space<vmem>>, %arg4: memref<1600x1xi32, #tpu.memory_space<vmem>>, %arg5: memref<1x40xf32, #tpu.memory_space<vmem>>, %arg6: memref<1x40xf32, #tpu.memory_space<vmem>>, %arg7: memref<100x200xf32, #tpu.memory_space<vmem>>, %arg8: memref<100x5xf32, #tpu.memory_space<vmem>>, %arg9: memref<200x5xf32, #tpu.memory_space<vmem>>, %arg10: memref<1600x1xf32, #tpu.memory_space<vmem>>) attributes {dimension_semantics = [#tpu.dimension_semantics<arbitrary>], iteration_bounds = array<i64: 500>, scalar_prefetch = 0 : i64, scratch_operands = 0 : i64, tpu.core_type = #tpu.core_type<tc>, window_params = [{transform_indices = @transform_0, window_bounds = array<i64: 1600, 1>}, {transform_indices = @transform_1, window_bounds = array<i64: 1600, 1>}, {transform_indices = @transform_2, window_bounds = array<i64: 1600, 1>}, {transform_indices = @transform_3, window_bounds = array<i64: 1600, 1>}, {pipeline_mode = #tpu.pipeline_mode<synchronous>, transform_indices = @transform_4, window_bounds = array<i64: 1, 40>}, {pipeline_mode = #tpu.pipeline_mode<synchronous>, transform_indices = @transform_5, window_bounds = array<i64: 1, 40>}, {pipeline_mode = #tpu.pipeline_mode<synchronous>, transform_indices = @transform_6, window_bounds = array<i64: 100, 200>}, {pipeline_mode = #tpu.pipeline_mode<synchronous>, transform_indices = @transform_7, window_bounds = array<i64: 100, 5>}, {pipeline_mode = #tpu.pipeline_mode<synchronous>, transform_indices = @transform_8, window_bounds = array<i64: 200, 5>}, {transform_indices = @transform_9, window_bounds = array<i64: 1600, 1>}]} {
    %get3A = arith.constant 0 : index
    %get3A_0 = arith.constant 0 : index
    %get3A_1 = vector.load %arg1[%get3A, %get3A_0] : memref<1600x1xf32, #tpu.memory_space<vmem>>, vector<1600x1xf32>
    %get3A_2 = arith.constant 0 : index
    %get3A_3 = arith.constant 0 : index
    %get3A_4 = vector.load %arg2[%get3A_2, %get3A_3] : memref<1600x1xf32, #tpu.memory_space<vmem>>, vector<1600x1xf32>
    %broadcast_in_dim3A = vector.shape_cast %get3A_1 : vector<1600x1xf32> to vector<1600x1xf32>
    %broadcast_in_dim3A_5 = vector.broadcast %broadcast_in_dim3A : vector<1600x1xf32> to vector<1600x20xf32>
    %broadcast_in_dim3A_6 = vector.shape_cast %get3A_4 : vector<1600x1xf32> to vector<1600x1xf32>
    %broadcast_in_dim3A_7 = vector.broadcast %broadcast_in_dim3A_6 : vector<1600x1xf32> to vector<1600x20xf32>
    %concatenate3A = tpu.concatenate %broadcast_in_dim3A_5, %broadcast_in_dim3A_7 in 1 : vector<1600x20xf32>, vector<1600x20xf32> -> vector<1600x40xf32>
    %get3A_8 = arith.constant 0 : index
    %get3A_9 = arith.constant 0 : index
    %get3A_10 = vector.load %arg5[%get3A_8, %get3A_9] : memref<1x40xf32, #tpu.memory_space<vmem>>, vector<1x40xf32>
    %mul3A = vector.broadcast %get3A_10 : vector<1x40xf32> to vector<1600x40xf32>
    %mul3A_11 = arith.mulf %concatenate3A, %mul3A : vector<1600x40xf32>
    %get3A_12 = arith.constant 0 : index
    %get3A_13 = arith.constant 0 : index
    %get3A_14 = vector.load %arg6[%get3A_12, %get3A_13] : memref<1x40xf32, #tpu.memory_space<vmem>>, vector<1x40xf32>
    %add3A = vector.broadcast %get3A_14 : vector<1x40xf32> to vector<1600x40xf32>
    %add3A_15 = arith.addf %mul3A_11, %add3A : vector<1600x40xf32>
    %sin3A = math.sin %add3A_15 : vector<1600x40xf32>
    %get3A_16 = arith.constant 0 : index
    %get3A_17 = arith.constant 0 : index
    %get3A_18 = vector.load %arg3[%get3A_16, %get3A_17] : memref<1600x1xi32, #tpu.memory_space<vmem>>, vector<1600x1xi32>
    %iota3A = tpu.iota {dimensions = array<i32: 1>} : vector<1600x100xi32>
    %eq3A = vector.broadcast %get3A_18 : vector<1600x1xi32> to vector<1600x100xi32>
    %eq3A_19 = arith.cmpi eq, %iota3A, %eq3A : vector<1600x100xi32>
    %convert_element_type3A = arith.extui %eq3A_19 : vector<1600x100xi1> to vector<1600x100xi32>
    %convert_element_type3A_20 = arith.sitofp %convert_element_type3A : vector<1600x100xi32> to vector<1600x100xf32>
    %get3A_21 = arith.constant 0 : index
    %get3A_22 = arith.constant 0 : index
    %get3A_23 = vector.load %arg7[%get3A_21, %get3A_22] : memref<100x200xf32, #tpu.memory_space<vmem>>, vector<100x200xf32>
    %dot_general3A = arith.constant dense<0.000000e+00> : vector<1600x200xf32>
    %dot_general3A_24 = tpu.matmul %convert_element_type3A_20, %get3A_23, %dot_general3A {dimension_numbers = #tpu.dot_dimension_numbers<[1], [0], [0], [1], [0, 0, 1, 1], [], []>, transpose_lhs_hint = false} : vector<1600x100xf32>, vector<100x200xf32>, vector<1600x200xf32> -> vector<1600x200xf32>
    %concatenate3A_25 = tpu.concatenate %sin3A, %sin3A, %sin3A, %sin3A, %sin3A in 1 : vector<1600x40xf32>, vector<1600x40xf32>, vector<1600x40xf32>, vector<1600x40xf32>, vector<1600x40xf32> -> vector<1600x200xf32>
    %mul3A_26 = arith.mulf %concatenate3A_25, %dot_general3A_24 : vector<1600x200xf32>
    %get3A_27 = arith.constant 0 : index
    %get3A_28 = arith.constant 0 : index
    %get3A_29 = vector.load %arg9[%get3A_27, %get3A_28] : memref<200x5xf32, #tpu.memory_space<vmem>>, vector<200x5xf32>
    %dot_general3A_30 = arith.constant dense<0.000000e+00> : vector<1600x5xf32>
    %dot_general3A_31 = tpu.matmul %mul3A_26, %get3A_29, %dot_general3A_30 {dimension_numbers = #tpu.dot_dimension_numbers<[1], [0], [0], [1], [0, 0, 1, 1], [], []>, transpose_lhs_hint = false} : vector<1600x200xf32>, vector<200x5xf32>, vector<1600x5xf32> -> vector<1600x5xf32>
    %max3A = arith.constant 0.000000e+00 : f32
    %max3A_32 = vector.broadcast %max3A : f32 to vector<1600x5xf32>
    %max3A_33 = arith.maximumf %dot_general3A_31, %max3A_32 : vector<1600x5xf32>
    %get3A_34 = arith.constant 0 : index
    %get3A_35 = arith.constant 0 : index
    %get3A_36 = vector.load %arg4[%get3A_34, %get3A_35] : memref<1600x1xi32, #tpu.memory_space<vmem>>, vector<1600x1xi32>
    %jit3A = arith.constant 100 : i32
    %eq3A_37 = arith.constant 0 : i32
    %eq3A_38 = arith.cmpi eq, %jit3A, %eq3A_37 : i32
    %jit3A_39 = arith.constant 1 : i32
    %select_n3A = arith.select %eq3A_38, %jit3A_39, %jit3A : i32
    %rem3A = vector.broadcast %select_n3A : i32 to vector<1600x1xi32>
    %rem3A_40 = arith.remsi %get3A_36, %rem3A : vector<1600x1xi32>
    %ne3A = arith.constant 0 : i32
    %ne3A_41 = vector.broadcast %ne3A : i32 to vector<1600x1xi32>
    %ne3A_42 = arith.cmpi ne, %rem3A_40, %ne3A_41 : vector<1600x1xi32>
    %lt3A = arith.constant 0 : i32
    %lt3A_43 = vector.broadcast %lt3A : i32 to vector<1600x1xi32>
    %lt3A_44 = arith.cmpi slt, %rem3A_40, %lt3A_43 : vector<1600x1xi32>
    %lt3A_45 = arith.constant 0 : i32
    %lt3A_46 = arith.cmpi slt, %select_n3A, %lt3A_45 : i32
    %ne3A_47 = vector.broadcast %lt3A_46 : i1 to vector<1600x1xi1>
    %ne3A_48 = vector.broadcast %ne3A_47 : vector<1600x1xi1> to vector<1600x1xi1>
    %ne3A_49 = arith.xori %lt3A_44, %ne3A_48 : vector<1600x1xi1>
    %and3A = arith.andi %ne3A_49, %ne3A_42 : vector<1600x1xi1>
    %add3A_50 = vector.broadcast %select_n3A : i32 to vector<1600x1xi32>
    %add3A_51 = arith.addi %rem3A_40, %add3A_50 : vector<1600x1xi32>
    %select_n3A_52 = arith.select %and3A, %add3A_51, %rem3A_40 : vector<1600x1xi1>, vector<1600x1xi32>
    %iota3A_53 = tpu.iota {dimensions = array<i32: 1>} : vector<1600x100xi32>
    %eq3A_54 = vector.broadcast %select_n3A_52 : vector<1600x1xi32> to vector<1600x100xi32>
    %eq3A_55 = arith.cmpi eq, %iota3A_53, %eq3A_54 : vector<1600x100xi32>
    %convert_element_type3A_56 = arith.extui %eq3A_55 : vector<1600x100xi1> to vector<1600x100xi32>
    %convert_element_type3A_57 = arith.sitofp %convert_element_type3A_56 : vector<1600x100xi32> to vector<1600x100xf32>
    %get3A_58 = arith.constant 0 : index
    %get3A_59 = arith.constant 0 : index
    %get3A_60 = vector.load %arg8[%get3A_58, %get3A_59] : memref<100x5xf32, #tpu.memory_space<vmem>>, vector<100x5xf32>
    %dot_general3A_61 = arith.constant dense<0.000000e+00> : vector<1600x5xf32>
    %dot_general3A_62 = tpu.matmul %convert_element_type3A_57, %get3A_60, %dot_general3A_61 {dimension_numbers = #tpu.dot_dimension_numbers<[1], [0], [0], [1], [0, 0, 1, 1], [], []>, transpose_lhs_hint = false} : vector<1600x100xf32>, vector<100x5xf32>, vector<1600x5xf32> -> vector<1600x5xf32>
    %mul3A_63 = arith.mulf %max3A_33, %dot_general3A_62 : vector<1600x5xf32>
    %reduce_sum3A = arith.constant dense<0.000000e+00> : vector<1600xf32>
    %reduce_sum3A_64 = vector.multi_reduction <add>, %mul3A_63, %reduce_sum3A [1] : vector<1600x5xf32> to vector<1600xf32>
    %broadcast_in_dim3A_65 = vector.shape_cast %reduce_sum3A_64 : vector<1600xf32> to vector<1600x1xf32>
    %swap3A = arith.constant 0 : index
    %swap3A_66 = arith.constant 0 : index
    %swap3A_67 = vector.load %arg10[%swap3A, %swap3A_66] : memref<1600x1xf32, #tpu.memory_space<vmem>>, vector<1600x1xf32>
    tpu.vector_store %arg10[%swap3A, %swap3A_66], %broadcast_in_dim3A_65 {strides = array<i32>} : memref<1600x1xf32, #tpu.memory_space<vmem>>, vector<1600x1xf32>,
    return
  }
  func.func @transform_0(%arg0: i32) -> (i32, i32) {
    %c0_i32 = arith.constant 0 : i32
    %c0_i32_0 = arith.constant 0 : i32
    return %arg0, %c0_i32 : i32, i32
  }
  func.func @transform_1(%arg0: i32) -> (i32, i32) {
    %c0_i32 = arith.constant 0 : i32
    %c0_i32_0 = arith.constant 0 : i32
    return %arg0, %c0_i32 : i32, i32
  }
  func.func @transform_2(%arg0: i32) -> (i32, i32) {
    %c0_i32 = arith.constant 0 : i32
    %c0_i32_0 = arith.constant 0 : i32
    return %arg0, %c0_i32 : i32, i32
  }
  func.func @transform_3(%arg0: i32) -> (i32, i32) {
    %c0_i32 = arith.constant 0 : i32
    %c0_i32_0 = arith.constant 0 : i32
    return %arg0, %c0_i32 : i32, i32
  }
  func.func @transform_4(%arg0: i32) -> (i32, i32) {
    %c0_i32 = arith.constant 0 : i32
    %c0_i32_0 = arith.constant 0 : i32
    %c0_i32_1 = arith.constant 0 : i32
    return %c0_i32, %c0_i32_0 : i32, i32
  }
  func.func @transform_5(%arg0: i32) -> (i32, i32) {
    %c0_i32 = arith.constant 0 : i32
    %c0_i32_0 = arith.constant 0 : i32
    %c0_i32_1 = arith.constant 0 : i32
    return %c0_i32, %c0_i32_0 : i32, i32
  }
  func.func @transform_6(%arg0: i32) -> (i32, i32) {
    %c0_i32 = arith.constant 0 : i32
    %c0_i32_0 = arith.constant 0 : i32
    %c0_i32_1 = arith.constant 0 : i32
    return %c0_i32, %c0_i32_0 : i32, i32
  }
  func.func @transform_7(%arg0: i32) -> (i32, i32) {
    %c0_i32 = arith.constant 0 : i32
    %c0_i32_0 = arith.constant 0 : i32
    %c0_i32_1 = arith.constant 0 : i32
    return %c0_i32, %c0_i32_0 : i32, i32
  }
  func.func @transform_8(%arg0: i32) -> (i32, i32) {
    %c0_i32 = arith.constant 0 : i32
    %c0_i32_0 = arith.constant 0 : i32
    %c0_i32_1 = arith.constant 0 : i32
    return %c0_i32, %c0_i32_0 : i32, i32
  }
  func.func @transform_9(%arg0: i32) -> (i32, i32) {
    %c0_i32 = arith.constant 0 : i32
    %c0_i32_0 = arith.constant 0 : i32
    return %arg0, %c0_i32 : i32, i32
  }
}

</mosaic_0001>

<sc_bundles>
// kernel: kernel.4.cloned.1.call-start
scs
__scs_entry_jumppad:
0x0: {  	(pc) =	sbr.rel $0x88, $3  }
0x1: {  	(tag) =	ssettag $0x0;
	lr =	simm.s32 $0x1  }
0x2: {  	[smem:$0x3F9A] =	sst lr;
	_ =	strace $0xD0000000  }
0x3: {  	_ = 	snop  }
0x4: {  	_ = 	snop  }
0x5: {  	_ = 	snop  }
0x6: {  	_ = 	snop  }
0x7: {  	_ = 	snop  }
__scs_overlays_trampoline_lowered:
0x8: {  	[smem:$0x3FA9] =	sst s0  }
0x9: {  	[smem:$0x3FAA] =	sst s1  }
0xa: {  	[smem:$0x3FAB] =	sst s2  }
0xb: {  	[smem:$0x3FAC] =	sst s3  }
0xc: {  	[smem:$0x3FAD] =	sst s4  }
0xd: {  	[smem:$0x3FAE] =	sst s5  }
0xe: {  	[smem:$0x3FAF] =	sst s6  }
0xf: {  	[smem:$0x3FB0] =	sst s7  }
0x10: {  	[smem:$0x3FB1] =	sst s8  }
0x11: {  	[smem:$0x3FB2] =	sst s9;
	s0 =	simm.s32 @!p0 $0x0  }
0x12: {  	s1 =	sld [smem:$0x3F98];
	s0 =	simm.s32 @p0 $0x1  }
0x13: {  	[smem:$0x3FB3] =	sst s0;
	s0 =	simm.s32 @!p1 $0x0  }
0x14: {  	s2 =	sld [smem:$0x3F97];
	s0 =	simm.s32 @p1 $0x1  }
0x15: {  	[smem:$0x3FB4] =	sst s0;
	s0 =	simm.s32 @!p2 $0x0  }
0x16: {  	s3 =	sld [smem:$0x3FDB];
	s0 =	simm.s32 @p2 $0x1  }
0x17: {  	s4 =	simm.s32 $0x1BF5;
	[smem:$0x3FB6] =	sst s0  }
0x18: {  	s0 =	sld [smem:$0x3F99];
	_ =	swait.ge [sflag:s4], $0x0  }
0x19: {  	s7 =	sld [smem:$0x3F9A]  }
0x1a: {  	s8 =	sadd.s32 $0xFFFFE003, lr  }
0x1b: {  	s9 =	sadd.s32 $0xFFFFFEF7, lr;
	s5 =	simm.s32 $0xFFFFFFFF;
	p2 =	slt.u32 s8, $0xFFFFF086  }
0x1c: {  	p1 =	slt.u32 s9, $0xF7A;
	s5 =	simm.s32 @!p2 $0x0  }
0x1d: {  	s5 =	simm.s32 @p1 $0x1;
	p0 =	seq.s32 s7, s2  }
0x1e: {  	s7 =	smul.u32 @!p0 $0xF7A, s2;
	p2 =	seq.s32 @!p0 s5, $0x0  }
0x1f: {  	s9 =	smul.u32 $0xF7A, s1;
	s8 =	simm.s32 @!p0 $0x1BF5;
	p2 =	por !p2, p0  }
0x20: {  	[sflag:s8] =	ssyncset.s32 @!p0 $0xFFFFF086;
	s6 =	sadd.s32 @!p0 s3, s7;
	s7 =	simm.s32 @!p0 $0x108  }
0x21: {  	s3 =	sadd.s32 s3, s9;
	s6 =	sadd.s32 @!p0 $0x88, s6;
	s7 =	simm.s32 @p2 $0x1082  }
0x22: {  	[simem:s7], [sflag:s8] =	dma.local @!p0 [hbm:s6], $0xF7A  }
0x23: {  	s9 =	sor.u32 $0xD0000000, s2;
	s6 =	simm.s32 $0x108;
	_ =	swait.ge @!p0 [sflag:s8], $0x0  }
0x24: {  	s3 =	sadd.s32 $0x88, s3;
	s6 =	simm.s32 @!p1 $0x1082;
	[sflag:s4] =	ssyncset.s32 $0xFFFFF086  }
0x25: {  	[simem:s6], [sflag:s4] =	dma.local [hbm:s3], $0xF7A  }
0x26: {  	[smem:$0x3F9A] =	sst s1;
	(tag) =	ssettag s2;
	_ =	strace s9  }
0x27: {  	s1 =	sld [smem:$0x3FAA]  }
0x28: {  	s2 =	sld [smem:$0x3FAB]  }
0x29: {  	s4 =	sld [smem:$0x3FAD]  }
0x2a: {  	p0 =	seq.s32 s5, $0x0;
	s5 =	sld [smem:$0x3FAE]  }
0x2b: {  	s6 =	sld [smem:$0x3FAF]  }
0x2c: {  	s7 =	sld [smem:$0x3FB0]  }
0x2d: {  	s3 =	simm.s32 $0x108;
	s8 =	sld [smem:$0x3FB1]  }
0x2e: {  	s3 =	simm.s32 @!p0 $0x1082;
	s9 =	sld [smem:$0x3FB2]  }
0x2f: {  	lr =	sadd.s32 s0, s3;
	s0 =	sld [smem:$0x3FA9]  }
0x30: {  	s3 =	sld [smem:$0x3FAC]  }
0x31: {  	[smem:$0x3FB5] =	sst s10  }
0x32: {  	s10 =	sld [smem:$0x3FB3];
	_ =	sdelay $0x3  }
0x33: {  	p0 =	seq.s32 s10, $0x1;
	s10 =	sld [smem:$0x3FB5];
	_ =	sdelay $0x3  }
0x34: {  	[smem:$0x3FB5] =	sst s10  }
0x35: {  	s10 =	sld [smem:$0x3FB4];
	_ =	sdelay $0x3  }
0x36: {  	p1 =	seq.s32 s10, $0x1;
	s10 =	sld [smem:$0x3FB5];
	_ =	sdelay $0x3  }
0x37: {  	[smem:$0x3FB5] =	sst s10  }
0x38: {  	s10 =	sld [smem:$0x3FB6]  }
0x39: {  	_ = 	snop;
	(pc) =	sbr.ind lr, $3  }
0x3a: {  	_ = 	snop  }
0x3b: {  	_ = 	snop  }
0x3c: {  	p2 =	seq.s32 s10, $0x1;
	s10 =	sld [smem:$0x3FB5]  }
0x3d: {  	_ =	shalt  }
0x3e: {  	_ =	shalt  }
0x3f: {  	_ =	shalt  }
0x40: {  	_ =	shalt  }
0x41: {  	_ =	shalt  }
0x42: {  	_ =	shalt  }
0x43: {  	_ =	shalt  }
0x44: {  	_ =	shalt  }
0x45: {  	_ =	shalt  }
0x46: {  	_ =	shalt  }
0x47: {  	_ =	shalt  }
0x48: {  	_ =	shalt  }
0x49: {  	_ =	shalt  }
0x4a: {  	_ =	shalt  }
0x4b: {  	_ =	shalt  }
0x4c: {  	_ =	shalt  }
0x4d: {  	_ =	shalt  }
0x4e: {  	_ =	shalt  }
0x4f: {  	_ =	shalt  }
0x50: {  	_ =	shalt  }
0x51: {  	_ =	shalt  }
0x52: {  	_ =	shalt  }
0x53: {  	_ =	shalt  }
0x54: {  	_ =	shalt  }
0x55: {  	_ =	shalt  }
0x56: {  	_ =	shalt  }
0x57: {  	_ =	shalt  }
0x58: {  	_ =	shalt  }
0x59: {  	_ =	shalt  }
0x5a: {  	_ =	shalt  }
0x5b: {  	_ =	shalt  }
0x5c: {  	_ =	shalt  }
0x5d: {  	_ =	shalt  }
0x5e: {  	_ =	shalt  }
0x5f: {  	_ =	shalt  }
0x60: {  	_ =	shalt  }
0x61: {  	_ =	shalt  }
0x62: {  	_ =	shalt  }
0x63: {  	_ =	shalt  }
0x64: {  	_ =	shalt  }
0x65: {  	_ =	shalt  }
0x66: {  	_ =	shalt  }
0x67: {  	_ =	shalt  }
0x68: {  	_ =	shalt  }
0x69: {  	_ =	shalt  }
0x6a: {  	_ =	shalt  }
0x6b: {  	_ =	shalt  }
0x6c: {  	_ =	shalt  }
0x6d: {  	_ =	shalt  }
0x6e: {  	_ =	shalt  }
0x6f: {  	_ =	shalt  }
0x70: {  	_ =	shalt  }
0x71: {  	_ =	shalt  }
0x72: {  	_ =	shalt  }
0x73: {  	_ =	shalt  }
0x74: {  	_ =	shalt  }
0x75: {  	_ =	shalt  }
0x76: {  	_ =	shalt  }
0x77: {  	_ =	shalt  }
0x78: {  	_ =	shalt  }
0x79: {  	_ =	shalt  }
0x7a: {  	_ =	shalt  }
0x7b: {  	_ =	shalt  }
0x7c: {  	_ =	shalt  }
0x7d: {  	_ =	shalt  }
0x7e: {  	_ =	shalt  }
0x7f: {  	_ =	shalt  }
0x80: {  	_ =	shalt  }
0x81: {  	_ =	shalt  }
0x82: {  	_ =	shalt  }
0x83: {  	_ =	shalt  }
0x84: {  	_ =	shalt  }
0x85: {  	_ =	shalt  }
0x86: {  	_ =	shalt  }
0x87: {  	_ =	shalt  }
.Lfunc_end0:
.L_simem_size_0:
called_computation_lowered:
.L_overlay_start_0:
0x88: {  	s2 =	sld [smem:$0x3FD9]  }
0x89: {  	s3 =	sld [smem:$0x3FFE];
	_ =	sdelay $0x1  }
0x8a: {  	s1 =	srdreg.scid  }
0x8b: {  	s0 =	sand.u32 $0x1, s1  }
0x8c: {  	s17 =	sshll.u32 s0, $0xA;
	s2 =	sadd.s32 s3, s2  }
0x8d: {  	s2 =	sadd.s32 s2, s17  }
0x8e: {  	[smem:$0x3FC1] =	sst s2  }
0x8f: {  	_ = 	snop  }
0x90: {  	s2 =	sld [smem:$0x3FC8]  }
0x91: {  	s18 =	sld [smem:$0x3FD0];
	(tm) =	ssettm $0x1  }
0x92: {  	s4 =	sld [smem:$0x3FFB];
	_ =	sdelay $0x3  }
0x93: {  	_ =	strace s4  }
0x94: {  	s4 =	sld [smem:$0x3FFC];
	_ =	sdelay $0x3  }
0x95: {  	_ =	strace s4  }
0x96: {  	s4 =	sld [smem:$0x3FFD];
	_ =	sdelay $0x3  }
0x97: {  	_ =	strace s4  }
0x98: {  	_ =	strace $0x8FFFFFFF  }
0x99: {  	s19 =	sld [smem:$0x3FDB];
	_ =	sdelay $0x1  }
0x9a: {  	s5 =	simm.s32 $_scs_section_size  }
0x9b: {  	s6 =	simm.s32 $_size__tile_overlayer_lowered;
	s7 =	simm.s32 $_tile_overlayer_lowered  }
0x9c: {  	s22 =	simm.s32 $0x1BFF;
	s21 =	sshll.u32 s7, $0x1;
	s4 =	sadd.s32 s5, s19  }
0x9d: {  	s8 =	simm.s32 $0x0;
	s20 =	sshll.u32 s6, $0x1;
	s6 =	sadd.s32 s21, s4  }
0x9e: {  	[timem:s8], [sflag:s22] =	dma.local [hbm:s6], s20  }
0x9f: {  	_ =	swait.ge [sflag:s22], s20  }
0xa0: {  	s5 =	ssub.s32 $0x0, s20;
	[sflag:s22] =	ssyncset.done $0x0  }
0xa1: {  	[sflag:s22] =	ssyncadd.s32 s5;
	_ =	sdelay $0x1  }
0xa2: {  	s23 =	simm.s32 $0x1B8B  }
0xa3: {  	_ =	swait.ge [sflag:s23], $0x1  }
0xa4: {  	[sflag:s23] =	ssyncset.done $0x0  }
0xa5: {  	s25 =	simm.s32 $0x1B8E;
	s24 =	sld [smem:$0x3FFE];
	[sflag:s23] =	ssyncadd.s32 $0xFFFFFFFF  }
0xa6: {  	s26 =	simm.s32 $execute0_lowered;
	[smem:$0x3FD2] =	sst s25  }
0xa7: {  	s6 =	sshll.u32 s26, $0x1;
	_ =	strace $0x80000046;
	[dreg:$0x1] =	wrdreg $0xFFFFFFFF  }
0xa8: {  	s28 =	simm.s32 $_size_execute0_lowered;
	s4 =	sadd.s32 s4, s6;
	[dreg:$0x0] =	wrdreg $0x0  }
0xa9: {  	s6 =	sshll.u32 s28, $0x1;
	[dreg:$0x2] =	wrdreg s4  }
0xaa: {  	[dreg:$0x3] =	wrdreg s6  }
0xab: {  	[dreg:$0x4] =	wrdreg $0xC0  }
0xac: {  	_ =	task [dreg:s8], $0x5FFFF  }
0xad: {  	[dreg:$0x1] =	wrdreg $0xFFFFFFFF  }
0xae: {  	[dreg:$0x0] =	wrdreg $0x60  }
0xaf: {  	[dreg:$0x2] =	wrdreg s18  }
0xb0: {  	[dreg:$0x3] =	wrdreg s2  }
0xb1: {  	[dreg:$0x4] =	wrdreg s24  }
0xb2: {  	[dreg:$0x5] =	wrdreg $0xA1800  }
0xb3: {  	[dreg:$0x6] =	wrdreg $0x103280  }
0xb4: {  	[dreg:$0x7] =	wrdreg $0x9  }
0xb5: {  	_ =	task.clear_ibuf [dreg:s8], $0x8FFFF;
	_ =	strace $0x90000046  }
0xb6: {  	s29 =	simm.s32 $0x9;
	_ =	strace $0x80000048  }
0xb7: {  	_ =	swait.ge [sflag:s29], $0x1  }
0xb8: {  	[sflag:s29] =	ssyncadd.s32 $0xFFFFFFFF  }
0xb9: {  	_ =	strace $0x90000048  }
0xba: {  	_ =	sfence  }
0xbb: {  	s30 =	sld [smem:$0x0];
	_ =	sdelay $0x2  }
0xbc: {  	s31 =	sshll.u32 s1, $0xD;
	s1 =	sshrl.u32 s1, $0x2  }
0xbd: {  	s3 =	sand.u32 $0x4000, s31;
	s1 =	sadd.s32 s1, s30  }
0xbe: {  	s0 =	sor.u32 s3, s0;
	s1 =	sshll.u32 s1, $0x11  }
0xbf: {  	s0 =	sor.u32 s1, s0  }
0xc0: {  	s0 =	sadd.s32 $0x8F2B, s0  }
0xc1: {  	[sflag:s0] =	ssyncadd.remote.s32 $0x1  }
0xc2: {  	_ =	sfence.sel $0xFFFF  }
0xc3: {  	[dreg:$0x0] =	wrdreg $0xFFFFFFFF;
	(pc) =	sbr.abs _section_cstart, $3  }
0xc4: {  	[dreg:$0x1] =	wrdreg $0xFFFFFFFF  }
0xc5: {  	_ =	task.clear_ibuf [dreg:s8], $0x2FFFF;
	_ =	strace $0x9FFFFFFF  }
0xc6: {  	(tm) =	ssettm $0x7FFFFFFF  }
0xc7: {  	_ =	shalt  }
tec
execute0_lowered:
.L_overlay_start_1:
0x0: {  	(tag) =	ssettag $0x1  }
0x1: {  	s0 =	rddreg [dreg:$0x0]  }
0x2: {  	s3 =	rddreg [dreg:$0x1]  }
0x3: {  	s4 =	rddreg [dreg:$0x2]  }
0x4: {  	s1 =	rddreg [dreg:$0x3];
	s5 =	srdreg.scid  }
0x5: {  	s2 =	rddreg [dreg:$0x4];
	s14 =	stileid.u32  }
0x6: {  	s8 =	simm.s32 $0x0;
	s5 =	sand.u32 $0x1, s5;
	s7 =	smul.u32 $0xC350, s14  }
0x7: {  	[smem:$0x7FF] =	sst s8;
	s10 =	smul.u32 $0x61A8, s14;
	s6 =	ssub.s32 $0x2, s5  }
0x8: {  	s18 =	sadd.s32 $0x1400, s4;
	s30 =	smul.u32 $0x186A00, s5;
	s9 =	sshrl.u32 s6, $0x1  }
0x9: {  	s7 =	sshrl.u32 s7, $0x3;
	s6 =	ssub.s32 s6, s9;
	s9 =	smul.u32 $0x61A80, s5  }
0xa: {  	s11 =	sadd.s32 s3, s7;
	s19 =	sadd.s32 $0x4E2, s7;
	s12 =	sadd.s32 s0, s7  }
0xb: {  	s21 =	sadd.s32 $0x9C4, s7;
	s13 =	sadd.s32 $0xEA6, s7;
	[dreg:$0x6] =	wrdreg s11  }
0xc: {  	s7 =	sadd.s32 $0x1388, s7;
	[dreg:$0x7] =	wrdreg s12;
	s20 =	sadd.s32 s3, s19  }
0xd: {  	s5 =	simm.s32 $0x7680;
	s11 =	sadd.s32 s0, s19;
	[dreg:$0x8] =	wrdreg s20  }
0xe: {  	s22 =	sadd.s32 s3, s21;
	s23 =	sadd.s32 s0, s21;
	[dreg:$0x9] =	wrdreg s11  }
0xf: {  	s24 =	sadd.s32 s3, s13;
	s25 =	sadd.s32 s0, s13;
	[dreg:$0xa] =	wrdreg s22  }
0x10: {  	s3 =	sadd.s32 s3, s7;
	s0 =	sadd.s32 s0, s7;
	[dreg:$0xb] =	wrdreg s23  }
0x11: {  	s13 =	smul.u32 $0x186A0, s14;
	s14 =	sadd.s32 $0x2710, s10;
	[dreg:$0xc] =	wrdreg s24  }
0x12: {  	s21 =	sadd.s32 $0x1200, s4;
	s29 =	smax.u32 s6, $0x1;
	[dreg:$0xd] =	wrdreg s25  }
0x13: {  	s4 =	simm.s32 $0x4F00;
	s6 =	simm.s32 $0x0;
	[dreg:$0xe] =	wrdreg s3  }
0x14: {  	s11 =	sadd.s32 s10, s9;
	[dreg:$0xf] =	wrdreg s0;
	s22 =	sadd.s32 s14, s1  }
0x15: {  	s23 =	sadd.s32 s14, s2;
	s24 =	sadd.s32 s10, s1;
	s25 =	sadd.s32 s10, s2  }
0x16: {  	s26 =	sshrl.u32 s11, $0x3;
	s16 =	sadd.s32 $0x2710, s11;
	s17 =	sadd.s32 $0x4E20, s11  }
0x17: {  	s0 =	sadd.s32 s13, s30;
	_ =	strace $0x80000047;
	s15 =	sadd.s32 s18, s26  }
0x18: {  	s7 =	sshrl.u32 s16, $0x3;
	s12 =	sshrl.u32 s17, $0x3;
	s30 =	sadd.s32 $0x9C40, s0  }
0x19: {  	s0 =	sshrl.u32 s0, $0x2;
	s19 =	sadd.s32 s18, s7;
	s20 =	sadd.s32 s18, s12  }
0x1a: {  	s18 =	sadd.s32 $0x4E20, s10;
	s3 =	sshrl.u32 s30, $0x2;
	s12 =	sadd.s32 $0x9E00, s0  }
0x1b: {  	s0 =	simm.s32 $0x1;
	s26 =	sadd.s32 s18, s1;
	s28 =	sadd.s32 s18, s2  }
0x1c: {  	v1 =	vimm.f32 $0.0e+00;
	v0 =	vmov s9;
	s31 =	sadd.s32 $0x9E00, s3;
	s18 =	simm.s32 $0x2780;
	s3 =	simm.s32 $0x2710  }
.LBB2_1:
0x1d: {  	s7 =	simm.s32 $0x40;
	s8 =	simm.s32 $0x0  }
.LBB2_2:
0x1e: {  	p0 =	sne.s32 s7, $0x9C00;
	[tilespmem:s8+$0x2780] =	vst v1;
	s8 =	smov.u32 s7;
	s7 =	sadd.s32 $0x40, s7  }
.Ltmp0:
0x1f: {  	(pc) =	sbr.rel @p0 .LBB2_2-.Ltmp0, $2  }
0x20: {  	_ =	sdelay $0x2  }
0x21: {  	s8 =	sshra.s32 s8, $0x2  }
0x22: {  	[tilespmem:s8+$0x2780] =	vst v1  }
0x23: {  	[spmem:s24] =	stream.linear.scatter [tilespmem:s18], [sflag:$0x1], $0x2710, $0x38;
	[tilespmem:$0x164D0] =	vst v63  }
0x24: {  	_ =	swait.ge [sflag:s0], $0x2710  }
0x25: {  	[sflag:s0] =	ssyncset.done $0x0  }
0x26: {  	[sflag:s0] =	ssyncadd.s32 $0xFFFFD8F0  }
0x27: {  	[spmem:s25] =	stream.linear.scatter [tilespmem:s18], [sflag:$0x1], $0x2710, $0x38;
	[tilespmem:$0x164D0] =	vst v63  }
0x28: {  	_ =	swait.ge [sflag:s0], $0x2710  }
0x29: {  	[sflag:s0] =	ssyncset.done $0x0  }
0x2a: {  	[sflag:s0] =	ssyncadd.s32 $0xFFFFD8F0  }
0x2b: {  	[spmem:s22] =	stream.linear.scatter [tilespmem:s18], [sflag:$0x1], $0x2710, $0x38;
	[tilespmem:$0x164D0] =	vst v63  }
0x2c: {  	_ =	swait.ge [sflag:s0], $0x2710  }
0x2d: {  	[sflag:s0] =	ssyncset.done $0x0  }
0x2e: {  	[sflag:s0] =	ssyncadd.s32 $0xFFFFD8F0  }
0x2f: {  	[spmem:s23] =	stream.linear.scatter [tilespmem:s18], [sflag:$0x1], $0x2710, $0x38;
	[tilespmem:$0x164D0] =	vst v63  }
0x30: {  	_ =	swait.ge [sflag:s0], $0x2710  }
0x31: {  	[sflag:s0] =	ssyncset.done $0x0  }
0x32: {  	[sflag:s0] =	ssyncadd.s32 $0xFFFFD8F0  }
0x33: {  	[spmem:s26] =	stream.linear.scatter [tilespmem:s18], [sflag:$0x1], $0x1388, $0x38;
	[tilespmem:$0x164D0] =	vst v63  }
0x34: {  	_ =	swait.ge [sflag:s0], $0x1388  }
0x35: {  	[sflag:s0] =	ssyncset.done $0x0  }
0x36: {  	[sflag:s0] =	ssyncadd.s32 $0xFFFFEC78  }
0x37: {  	[spmem:s28] =	stream.linear.scatter [tilespmem:s18], [sflag:$0x1], $0x1388, $0x38;
	[tilespmem:$0x164D0] =	vst v63  }
0x38: {  	_ =	swait.ge [sflag:s0], $0x1388  }
0x39: {  	[sflag:s0] =	ssyncset.done $0x0  }
0x3a: {  	s7 =	simm.s32 $0x0;
	s13 =	simm.s32 $0x9E00;
	[sflag:s0] =	ssyncadd.s32 $0xFFFFEC78  }
0x3b: {  	[tilespmem:s13], [sflag:$0x1] =	stream.linear.gather [hbm4b:s21+s7], $0x380, $0x38;
	[tilespmem:$0x164D0] =	vst v63  }
0x3c: {  	_ =	swait.ge [sflag:s0], $0x380  }
0x3d: {  	[sflag:s0] =	ssyncset.done $0x0  }
0x3e: {  	[sflag:s0] =	ssyncadd.s32 $0xFFFFFC80  }
0x3f: {  	[bflag:$0x0] =	sbarrier.arrive $0xFFFF  }
0x40: {  	s14 =	rddreg [dreg:$0x6]  }
0x41: {  	[tilespmem:s7], [sflag:$0x1] =	stream.linear.gather [hbm4b:s14+s7], $0x2710, $0x38;
	[tilespmem:$0x164D0] =	vst v63  }
0x42: {  	_ =	swait.ge [sflag:s0], $0x2710  }
0x43: {  	[sflag:s0] =	ssyncset.done $0x0  }
0x44: {  	s30 =	rddreg [dreg:$0x7];
	[sflag:s0] =	ssyncadd.s32 $0xFFFFD8F0  }
0x45: {  	[tilespmem:s18], [sflag:$0x1] =	stream.linear.gather [hbm4b:s30+s7], $0x2710, $0x38;
	[tilespmem:$0x164D0] =	vst v63  }
0x46: {  	_ =	swait.ge [sflag:s0], $0x2710  }
0x47: {  	[sflag:s0] =	ssyncset.done $0x0  }
0x48: {  	s7 =	simm.s32 $0x0;
	[sflag:s0] =	ssyncadd.s32 $0xFFFFD8F0  }
0x49: {  	v2 =	vld [tilespmem:s7+$0x0];
	_ =	sdelay $0x2  }
0x4a: {  	v3 =	vld [tilespmem:s7+$0x2780];
	_ =	sdelay $0x1  }
0x4b: {  	v2 =	vsub.s32 v2, v0  }
0x4c: {  	vm0 =	vlt.u32 v2, $0x61A80  }
0x4d: {  	v4 =	vnsel vm0, $0x0, v2  }
0x4e: {  	s9 =	simm.s32 $0x10;
	s8 =	simm.s32 $0x80;
	v3 =	vnsel vm0, $0x0, v3;
	v2 =	vsel vm0, $0x3F800000, v1;
	[tilespmem:s7+$0x0] =	vst v4  }
.LBB2_4:
0x4f: {  	p0 =	sne.s32 s8, $0x9C00;
	v4 =	vld [tilespmem:s9+$0x0];
	[tilespmem:s7+$0x2780] =	vst v3  }
0x50: {  	[tilespmem:s7+$0x4F00] =	vst v2;
	s7 =	smov.u32 s9  }
0x51: {  	v2 =	vld [tilespmem:s7+$0x2780];
	_ =	sdelay $0x1  }
.Ltmp1:
0x52: {  	(pc) =	sbr.rel @p0 .LBB2_4-.Ltmp1, $4  }
0x53: {  	v3 =	vsub.s32 v4, v0  }
0x54: {  	vm0 =	vlt.u32 v3, $0x61A80  }
0x55: {  	v4 =	vnsel vm0, $0x0, v3;
	v3 =	vnsel vm0, $0x0, v2;
	v2 =	vsel vm0, $0x3F800000, v1  }
0x56: {  	s9 =	sshra.s32 s8, $0x2;
	s8 =	sadd.s32 $0x40, s8;
	[tilespmem:s7+$0x0] =	vst v4  }
0x57: {  	v4 =	vld [tilespmem:s9+$0x0]  }
0x58: {  	[tilespmem:s7+$0x2780] =	vst v3  }
0x59: {  	[tilespmem:s7+$0x4F00] =	vst v2  }
0x5a: {  	v2 =	vld [tilespmem:s9+$0x2780];
	_ =	sdelay $0x1  }
0x5b: {  	v3 =	vsub.s32 v4, v0  }
0x5c: {  	vm0 =	vlt.u32 v3, $0x61A80  }
0x5d: {  	v3 =	vnsel vm0, $0x0, v3  }
0x5e: {  	v2 =	vnsel vm0, $0x0, v2;
	[tilespmem:s9+$0x0] =	vst v3  }
0x5f: {  	v3 =	vsel vm0, $0x3F800000, v1;
	[tilespmem:s9+$0x2780] =	vst v2  }
0x60: {  	s14 =	simm.s32 $0x0;
	[tilespmem:s9+$0x4F00] =	vst v3  }
0x61: {  	[spmem:s1] =	stream.indirect.scatter.add.f32 [tilespmem:s18], [sflag:$0x1], $0x1, s14, s3, $0xb8;
	[tilespmem:$0x164D0] =	vst v63  }
0x62: {  	_ =	swait.ge [sflag:s0], $0x2710  }
0x63: {  	[sflag:s0] =	ssyncset.done $0x0  }
0x64: {  	[sflag:s0] =	ssyncadd.s32 $0xFFFFD8F0  }
0x65: {  	[spmem:s2] =	stream.indirect.scatter.add.f32 [tilespmem:s4], [sflag:$0x1], $0x1, s14, s3, $0xb8;
	[tilespmem:$0x164D0] =	vst v63  }
0x66: {  	_ =	swait.ge [sflag:s0], $0x2710  }
0x67: {  	[sflag:s0] =	ssyncset.done $0x0  }
0x68: {  	s8 =	rddreg [dreg:$0x8];
	[sflag:s0] =	ssyncadd.s32 $0xFFFFD8F0  }
0x69: {  	[tilespmem:s14], [sflag:$0x1] =	stream.linear.gather [hbm4b:s8+s14], $0x2710, $0x38;
	[tilespmem:$0x164D0] =	vst v63  }
0x6a: {  	_ =	swait.ge [sflag:s0], $0x2710  }
0x6b: {  	[sflag:s0] =	ssyncset.done $0x0  }
0x6c: {  	s30 =	rddreg [dreg:$0x9];
	[sflag:s0] =	ssyncadd.s32 $0xFFFFD8F0  }
0x6d: {  	[tilespmem:s18], [sflag:$0x1] =	stream.linear.gather [hbm4b:s30+s14], $0x2710, $0x38;
	[tilespmem:$0x164D0] =	vst v63  }
0x6e: {  	_ =	swait.ge [sflag:s0], $0x2710  }
0x6f: {  	[sflag:s0] =	ssyncset.done $0x0  }
0x70: {  	s7 =	simm.s32 $0x0;
	[sflag:s0] =	ssyncadd.s32 $0xFFFFD8F0  }
0x71: {  	v2 =	vld [tilespmem:s7+$0x0];
	_ =	sdelay $0x2  }
0x72: {  	v3 =	vld [tilespmem:s7+$0x2780];
	_ =	sdelay $0x1  }
0x73: {  	v2 =	vsub.s32 v2, v0  }
0x74: {  	vm15 =	vlt.u32 v2, $0x61A80  }
0x75: {  	v4 =	vnsel vm15, $0x0, v2  }
0x76: {  	s9 =	simm.s32 $0x10;
	s8 =	simm.s32 $0x80;
	v3 =	vnsel vm15, $0x0, v3;
	v2 =	vsel vm15, $0x3F800000, v1;
	[tilespmem:s7+$0x0] =	vst v4  }
.LBB2_6:
0x77: {  	p0 =	sne.s32 s8, $0x9C00;
	v4 =	vld [tilespmem:s9+$0x0];
	[tilespmem:s7+$0x2780] =	vst v3  }
0x78: {  	[tilespmem:s7+$0x4F00] =	vst v2;
	s7 =	smov.u32 s9  }
0x79: {  	v2 =	vld [tilespmem:s7+$0x2780];
	_ =	sdelay $0x1  }
.Ltmp2:
0x7a: {  	(pc) =	sbr.rel @p0 .LBB2_6-.Ltmp2, $4  }
0x7b: {  	v3 =	vsub.s32 v4, v0  }
0x7c: {  	vm0 =	vlt.u32 v3, $0x61A80  }
0x7d: {  	v4 =	vnsel vm0, $0x0, v3;
	v3 =	vnsel vm0, $0x0, v2;
	v2 =	vsel vm0, $0x3F800000, v1  }
0x7e: {  	s9 =	sshra.s32 s8, $0x2;
	s8 =	sadd.s32 $0x40, s8;
	[tilespmem:s7+$0x0] =	vst v4  }
0x7f: {  	v4 =	vld [tilespmem:s9+$0x0]  }
0x80: {  	[tilespmem:s7+$0x2780] =	vst v3  }
0x81: {  	[tilespmem:s7+$0x4F00] =	vst v2  }
0x82: {  	v2 =	vld [tilespmem:s9+$0x2780];
	_ =	sdelay $0x1  }
0x83: {  	v3 =	vsub.s32 v4, v0  }
0x84: {  	vm0 =	vlt.u32 v3, $0x61A80  }
0x85: {  	v3 =	vnsel vm0, $0x0, v3  }
0x86: {  	v2 =	vnsel vm0, $0x0, v2;
	[tilespmem:s9+$0x0] =	vst v3  }
0x87: {  	v3 =	vsel vm0, $0x3F800000, v1;
	[tilespmem:s9+$0x2780] =	vst v2  }
0x88: {  	s14 =	simm.s32 $0x0;
	[tilespmem:s9+$0x4F00] =	vst v3  }
0x89: {  	[spmem:s1] =	stream.indirect.scatter.add.f32 [tilespmem:s18], [sflag:$0x1], $0x1, s14, s3, $0xb8;
	[tilespmem:$0x164D0] =	vst v63  }
0x8a: {  	_ =	swait.ge [sflag:s0], $0x2710  }
0x8b: {  	[sflag:s0] =	ssyncset.done $0x0  }
0x8c: {  	[sflag:s0] =	ssyncadd.s32 $0xFFFFD8F0  }
0x8d: {  	[spmem:s2] =	stream.indirect.scatter.add.f32 [tilespmem:s4], [sflag:$0x1], $0x1, s14, s3, $0xb8;
	[tilespmem:$0x164D0] =	vst v63  }
0x8e: {  	_ =	swait.ge [sflag:s0], $0x2710  }
0x8f: {  	[sflag:s0] =	ssyncset.done $0x0  }
0x90: {  	s8 =	rddreg [dreg:$0xa];
	[sflag:s0] =	ssyncadd.s32 $0xFFFFD8F0  }
0x91: {  	[tilespmem:s14], [sflag:$0x1] =	stream.linear.gather [hbm4b:s8+s14], $0x2710, $0x38;
	[tilespmem:$0x164D0] =	vst v63  }
0x92: {  	_ =	swait.ge [sflag:s0], $0x2710  }
0x93: {  	[sflag:s0] =	ssyncset.done $0x0  }
0x94: {  	s30 =	rddreg [dreg:$0xb];
	[sflag:s0] =	ssyncadd.s32 $0xFFFFD8F0  }
0x95: {  	[tilespmem:s18], [sflag:$0x1] =	stream.linear.gather [hbm4b:s30+s14], $0x2710, $0x38;
	[tilespmem:$0x164D0] =	vst v63  }
0x96: {  	_ =	swait.ge [sflag:s0], $0x2710  }
0x97: {  	[sflag:s0] =	ssyncset.done $0x0  }
0x98: {  	s7 =	simm.s32 $0x0;
	[sflag:s0] =	ssyncadd.s32 $0xFFFFD8F0  }
0x99: {  	v2 =	vld [tilespmem:s7+$0x0];
	_ =	sdelay $0x2  }
0x9a: {  	v3 =	vld [tilespmem:s7+$0x2780];
	_ =	sdelay $0x1  }
0x9b: {  	v2 =	vsub.s32 v2, v0  }
0x9c: {  	vm15 =	vlt.u32 v2, $0x61A80  }
0x9d: {  	v4 =	vnsel vm15, $0x0, v2  }
0x9e: {  	s9 =	simm.s32 $0x10;
	s8 =	simm.s32 $0x80;
	v3 =	vnsel vm15, $0x0, v3;
	v2 =	vsel vm15, $0x3F800000, v1;
	[tilespmem:s7+$0x0] =	vst v4  }
.LBB2_8:
0x9f: {  	p0 =	sne.s32 s8, $0x9C00;
	v4 =	vld [tilespmem:s9+$0x0];
	[tilespmem:s7+$0x2780] =	vst v3  }
0xa0: {  	[tilespmem:s7+$0x4F00] =	vst v2;
	s7 =	smov.u32 s9  }
0xa1: {  	v2 =	vld [tilespmem:s7+$0x2780];
	_ =	sdelay $0x1  }
.Ltmp3:
0xa2: {  	(pc) =	sbr.rel @p0 .LBB2_8-.Ltmp3, $4  }
0xa3: {  	v3 =	vsub.s32 v4, v0  }
0xa4: {  	vm0 =	vlt.u32 v3, $0x61A80  }
0xa5: {  	v4 =	vnsel vm0, $0x0, v3;
	v3 =	vnsel vm0, $0x0, v2;
	v2 =	vsel vm0, $0x3F800000, v1  }
0xa6: {  	s9 =	sshra.s32 s8, $0x2;
	s8 =	sadd.s32 $0x40, s8;
	[tilespmem:s7+$0x0] =	vst v4  }
0xa7: {  	v4 =	vld [tilespmem:s9+$0x0]  }
0xa8: {  	[tilespmem:s7+$0x2780] =	vst v3  }
0xa9: {  	[tilespmem:s7+$0x4F00] =	vst v2  }
0xaa: {  	v2 =	vld [tilespmem:s9+$0x2780];
	_ =	sdelay $0x1  }
0xab: {  	v3 =	vsub.s32 v4, v0  }
0xac: {  	vm0 =	vlt.u32 v3, $0x61A80  }
0xad: {  	v3 =	vnsel vm0, $0x0, v3  }
0xae: {  	v2 =	vnsel vm0, $0x0, v2;
	[tilespmem:s9+$0x0] =	vst v3  }
0xaf: {  	v3 =	vsel vm0, $0x3F800000, v1;
	[tilespmem:s9+$0x2780] =	vst v2  }
0xb0: {  	s14 =	simm.s32 $0x0;
	[tilespmem:s9+$0x4F00] =	vst v3  }
0xb1: {  	[spmem:s1] =	stream.indirect.scatter.add.f32 [tilespmem:s18], [sflag:$0x1], $0x1, s14, s3, $0xb8;
	[tilespmem:$0x164D0] =	vst v63  }
0xb2: {  	_ =	swait.ge [sflag:s0], $0x2710  }
0xb3: {  	[sflag:s0] =	ssyncset.done $0x0  }
0xb4: {  	[sflag:s0] =	ssyncadd.s32 $0xFFFFD8F0  }
0xb5: {  	[spmem:s2] =	stream.indirect.scatter.add.f32 [tilespmem:s4], [sflag:$0x1], $0x1, s14, s3, $0xb8;
	[tilespmem:$0x164D0] =	vst v63  }
0xb6: {  	_ =	swait.ge [sflag:s0], $0x2710  }
0xb7: {  	[sflag:s0] =	ssyncset.done $0x0  }
0xb8: {  	s8 =	rddreg [dreg:$0xc];
	[sflag:s0] =	ssyncadd.s32 $0xFFFFD8F0  }
0xb9: {  	[tilespmem:s14], [sflag:$0x1] =	stream.linear.gather [hbm4b:s8+s14], $0x2710, $0x38;
	[tilespmem:$0x164D0] =	vst v63  }
0xba: {  	_ =	swait.ge [sflag:s0], $0x2710  }
0xbb: {  	[sflag:s0] =	ssyncset.done $0x0  }
0xbc: {  	s30 =	rddreg [dreg:$0xd];
	[sflag:s0] =	ssyncadd.s32 $0xFFFFD8F0  }
0xbd: {  	[tilespmem:s18], [sflag:$0x1] =	stream.linear.gather [hbm4b:s30+s14], $0x2710, $0x38;
	[tilespmem:$0x164D0] =	vst v63  }
0xbe: {  	_ =	swait.ge [sflag:s0], $0x2710  }
0xbf: {  	[sflag:s0] =	ssyncset.done $0x0  }
0xc0: {  	s7 =	simm.s32 $0x0;
	[sflag:s0] =	ssyncadd.s32 $0xFFFFD8F0  }
0xc1: {  	v2 =	vld [tilespmem:s7+$0x0];
	_ =	sdelay $0x2  }
0xc2: {  	v3 =	vld [tilespmem:s7+$0x2780];
	_ =	sdelay $0x1  }
0xc3: {  	v2 =	vsub.s32 v2, v0  }
0xc4: {  	vm15 =	vlt.u32 v2, $0x61A80  }
0xc5: {  	v4 =	vnsel vm15, $0x0, v2  }
0xc6: {  	s9 =	simm.s32 $0x10;
	s8 =	simm.s32 $0x80;
	v3 =	vnsel vm15, $0x0, v3;
	v2 =	vsel vm15, $0x3F800000, v1;
	[tilespmem:s7+$0x0] =	vst v4  }
.LBB2_10:
0xc7: {  	p0 =	sne.s32 s8, $0x9C00;
	v4 =	vld [tilespmem:s9+$0x0];
	[tilespmem:s7+$0x2780] =	vst v3  }
0xc8: {  	[tilespmem:s7+$0x4F00] =	vst v2;
	s7 =	smov.u32 s9  }
0xc9: {  	v2 =	vld [tilespmem:s7+$0x2780];
	_ =	sdelay $0x1  }
.Ltmp4:
0xca: {  	(pc) =	sbr.rel @p0 .LBB2_10-.Ltmp4, $4  }
0xcb: {  	v3 =	vsub.s32 v4, v0  }
0xcc: {  	vm0 =	vlt.u32 v3, $0x61A80  }
0xcd: {  	v4 =	vnsel vm0, $0x0, v3;
	v3 =	vnsel vm0, $0x0, v2;
	v2 =	vsel vm0, $0x3F800000, v1  }
0xce: {  	s9 =	sshra.s32 s8, $0x2;
	s8 =	sadd.s32 $0x40, s8;
	[tilespmem:s7+$0x0] =	vst v4  }
0xcf: {  	v4 =	vld [tilespmem:s9+$0x0]  }
0xd0: {  	[tilespmem:s7+$0x2780] =	vst v3  }
0xd1: {  	[tilespmem:s7+$0x4F00] =	vst v2  }
0xd2: {  	v2 =	vld [tilespmem:s9+$0x2780];
	_ =	sdelay $0x1  }
0xd3: {  	v3 =	vsub.s32 v4, v0  }
0xd4: {  	vm0 =	vlt.u32 v3, $0x61A80  }
0xd5: {  	v3 =	vnsel vm0, $0x0, v3  }
0xd6: {  	v2 =	vnsel vm0, $0x0, v2;
	[tilespmem:s9+$0x0] =	vst v3  }
0xd7: {  	v3 =	vsel vm0, $0x3F800000, v1;
	[tilespmem:s9+$0x2780] =	vst v2  }
0xd8: {  	s14 =	simm.s32 $0x0;
	[tilespmem:s9+$0x4F00] =	vst v3  }
0xd9: {  	[spmem:s1] =	stream.indirect.scatter.add.f32 [tilespmem:s18], [sflag:$0x1], $0x1, s14, s3, $0xb8;
	[tilespmem:$0x164D0] =	vst v63  }
0xda: {  	_ =	swait.ge [sflag:s0], $0x2710  }
0xdb: {  	[sflag:s0] =	ssyncset.done $0x0  }
0xdc: {  	[sflag:s0] =	ssyncadd.s32 $0xFFFFD8F0  }
0xdd: {  	[spmem:s2] =	stream.indirect.scatter.add.f32 [tilespmem:s4], [sflag:$0x1], $0x1, s14, s3, $0xb8;
	[tilespmem:$0x164D0] =	vst v63  }
0xde: {  	_ =	swait.ge [sflag:s0], $0x2710  }
0xdf: {  	[sflag:s0] =	ssyncset.done $0x0  }
0xe0: {  	s8 =	rddreg [dreg:$0xe];
	[sflag:s0] =	ssyncadd.s32 $0xFFFFD8F0  }
0xe1: {  	[tilespmem:s14], [sflag:$0x1] =	stream.linear.gather [hbm4b:s8+s14], $0x2710, $0x38;
	[tilespmem:$0x164D0] =	vst v63  }
0xe2: {  	_ =	swait.ge [sflag:s0], $0x2710  }
0xe3: {  	[sflag:s0] =	ssyncset.done $0x0  }
0xe4: {  	s30 =	rddreg [dreg:$0xf];
	[sflag:s0] =	ssyncadd.s32 $0xFFFFD8F0  }
0xe5: {  	[tilespmem:s18], [sflag:$0x1] =	stream.linear.gather [hbm4b:s30+s14], $0x2710, $0x38;
	[tilespmem:$0x164D0] =	vst v63  }
0xe6: {  	_ =	swait.ge [sflag:s0], $0x2710  }
0xe7: {  	[sflag:s0] =	ssyncset.done $0x0  }
0xe8: {  	s7 =	simm.s32 $0x0;
	[sflag:s0] =	ssyncadd.s32 $0xFFFFD8F0  }
0xe9: {  	v2 =	vld [tilespmem:s7+$0x0];
	_ =	sdelay $0x2  }
0xea: {  	v3 =	vld [tilespmem:s7+$0x2780];
	_ =	sdelay $0x1  }
0xeb: {  	v2 =	vsub.s32 v2, v0  }
0xec: {  	vm15 =	vlt.u32 v2, $0x61A80  }
0xed: {  	v4 =	vnsel vm15, $0x0, v2  }
0xee: {  	s9 =	simm.s32 $0x10;
	s8 =	simm.s32 $0x80;
	v3 =	vnsel vm15, $0x0, v3;
	v2 =	vsel vm15, $0x3F800000, v1;
	[tilespmem:s7+$0x0] =	vst v4  }
.LBB2_12:
0xef: {  	p0 =	sne.s32 s8, $0x9C00;
	v4 =	vld [tilespmem:s9+$0x0];
	[tilespmem:s7+$0x2780] =	vst v3  }
0xf0: {  	[tilespmem:s7+$0x4F00] =	vst v2;
	s7 =	smov.u32 s9  }
0xf1: {  	v2 =	vld [tilespmem:s7+$0x2780];
	_ =	sdelay $0x1  }
.Ltmp5:
0xf2: {  	(pc) =	sbr.rel @p0 .LBB2_12-.Ltmp5, $4  }
0xf3: {  	v3 =	vsub.s32 v4, v0  }
0xf4: {  	vm0 =	vlt.u32 v3, $0x61A80  }
0xf5: {  	v4 =	vnsel vm0, $0x0, v3;
	v3 =	vnsel vm0, $0x0, v2;
	v2 =	vsel vm0, $0x3F800000, v1  }
0xf6: {  	s9 =	sshra.s32 s8, $0x2;
	s8 =	sadd.s32 $0x40, s8;
	[tilespmem:s7+$0x0] =	vst v4  }
0xf7: {  	v4 =	vld [tilespmem:s9+$0x0]  }
0xf8: {  	[tilespmem:s7+$0x2780] =	vst v3  }
0xf9: {  	[tilespmem:s7+$0x4F00] =	vst v2  }
0xfa: {  	v2 =	vld [tilespmem:s9+$0x2780];
	_ =	sdelay $0x1  }
0xfb: {  	v3 =	vsub.s32 v4, v0  }
0xfc: {  	vm0 =	vlt.u32 v3, $0x61A80  }
0xfd: {  	v3 =	vnsel vm0, $0x0, v3  }
0xfe: {  	v2 =	vnsel vm0, $0x0, v2;
	[tilespmem:s9+$0x0] =	vst v3  }
0xff: {  	v3 =	vsel vm0, $0x3F800000, v1;
	[tilespmem:s9+$0x2780] =	vst v2  }
0x100: {  	s13 =	simm.s32 $0x0;
	[tilespmem:s9+$0x4F00] =	vst v3  }
0x101: {  	[spmem:s1] =	stream.indirect.scatter.add.f32 [tilespmem:s18], [sflag:$0x1], $0x1, s13, s3, $0xb8;
	[tilespmem:$0x164D0] =	vst v63  }
0x102: {  	_ =	swait.ge [sflag:s0], $0x2710  }
0x103: {  	[sflag:s0] =	ssyncset.done $0x0  }
0x104: {  	[sflag:s0] =	ssyncadd.s32 $0xFFFFD8F0  }
0x105: {  	[spmem:s2] =	stream.indirect.scatter.add.f32 [tilespmem:s4], [sflag:$0x1], $0x1, s13, s3, $0xb8;
	[tilespmem:$0x164D0] =	vst v63  }
0x106: {  	_ =	swait.ge [sflag:s0], $0x2710  }
0x107: {  	[sflag:s0] =	ssyncset.done $0x0  }
0x108: {  	[sflag:s0] =	ssyncadd.s32 $0xFFFFD8F0  }
0x109: {  	[bflag:$0x0] =	sbarrier.arrive $0xFFFF  }
0x10a: {  	[tilespmem:s18], [sflag:$0x1] =	stream.linear.gather [spmem:s24], $0x2710, $0x38;
	[tilespmem:$0x164D0] =	vst v63  }
0x10b: {  	_ =	swait.ge [sflag:s0], $0x2710  }
0x10c: {  	[sflag:s0] =	ssyncset.done $0x0  }
0x10d: {  	[sflag:s0] =	ssyncadd.s32 $0xFFFFD8F0  }
0x10e: {  	[tilespmem:s4], [sflag:$0x1] =	stream.linear.gather [spmem:s25], $0x2710, $0x38;
	[tilespmem:$0x164D0] =	vst v63  }
0x10f: {  	_ =	swait.ge [sflag:s0], $0x2710  }
0x110: {  	[sflag:s0] =	ssyncset.done $0x0  }
0x111: {  	s8 =	simm.s32 $0x0;
	[sflag:s0] =	ssyncadd.s32 $0xFFFFD8F0  }
0x112: {  	v2 =	vld [tilespmem:s8+$0x4F00];
	_ =	sdelay $0x4  }
0x113: {  	v2 =	vmax.f32 v2, $1.000000000e+00  }
0x114: {  	s14 =	smulhi.u32 $0x51EB851F, s11;
	s7 =	simm.s32 $0x10;
	(erf) = vrcp.f32 v2  }
0x115: {  	v3 =	vld [tilespmem:s7+$0x4F00]  }
0x116: {  	s9 =	sshrl.u32 s14, $0x7  }
0x117: {  	s9 =	smul.u32 $0xFFFFF9C0, s9;
	_ =	sdelay $0x1  }
0x118: {  	s9 =	sshra.s32 s9, $0x2;
	v2 =	vld [tilespmem:s8+$0x2780]  }
0x119: {  	s9 =	sadd.s32 s9, s12;
	v4 =	vmax.f32 v3, $1.000000000e+00  }
0x11a: {  	s10 =	sadd.s32 $0x10, s11;
	v3 =	vld [tilespmem:s9+$0x0]  }
0x11b: {  	s14 =	smulhi.u32 $0x51EB851F, s10;
	(erf) = vrcp.f32 v4  }
0x11c: {  	s30 =	smov.u32 s12;
	s13 =	simm.s32 $0xC0;
	s9 =	simm.s32 $0x20;
	v4 =	vpop (erf)  }
.LBB2_14:
0x11d: {  	p0 =	sne.s32 s13, $0x9C00;
	v5 =	vld [tilespmem:s9+$0x4F00];
	s14 =	sshrl.u32 s14, $0x7;
	v2 =	vmul.f32 v4, v2  }
0x11e: {  	s14 =	smul.u32 $0xFFFFF9C0, s14  }
0x11f: {  	v3 =	vadd.f32 v2, v3  }
.Ltmp6:
0x120: {  	s30 =	sadd.s32 $0x10, s30;
	s14 =	sshra.s32 s14, $0x2;
	v2 =	vld [tilespmem:s7+$0x2780];
	(pc) =	sbr.rel @p0 .LBB2_14-.Ltmp6, $4  }
0x121: {  	s14 =	sadd.s32 s14, s30;
	[tilespmem:s8+$0x7680] =	vst v3;
	s8 =	smov.u32 s7;
	s7 =	smov.u32 s9  }
0x122: {  	s10 =	sadd.s32 $0x10, s10;
	v5 =	vmax.f32 v5, $1.000000000e+00;
	v3 =	vld [tilespmem:s14+$0x0]  }
0x123: {  	s14 =	smulhi.u32 $0x51EB851F, s10;
	(erf) = vrcp.f32 v5  }
0x124: {  	s9 =	sshra.s32 s13, $0x2;
	s13 =	sadd.s32 $0x40, s13;
	v4 =	vpop (erf)  }
0x125: {  	v5 =	vld [tilespmem:s9+$0x4F00]  }
0x126: {  	s13 =	sshrl.u32 s14, $0x7;
	v2 =	vmul.f32 v4, v2  }
0x127: {  	s13 =	smul.u32 $0xFFFFF9C0, s13  }
0x128: {  	v2 =	vadd.f32 v2, v3  }
0x129: {  	s14 =	sadd.s32 $0x10, s30;
	v3 =	vld [tilespmem:s7+$0x2780];
	s13 =	sshra.s32 s13, $0x2  }
0x12a: {  	s13 =	sadd.s32 s13, s14;
	[tilespmem:s8+$0x7680] =	vst v2;
	v2 =	vmax.f32 v5, $1.000000000e+00  }
0x12b: {  	v4 =	vld [tilespmem:s13+$0x0];
	s13 =	sadd.s32 $0x10, s10  }
0x12c: {  	s8 =	smulhi.u32 $0x51EB851F, s13;
	(erf) = vrcp.f32 v2  }
0x12d: {  	v2 =	vpop (erf)  }
0x12e: {  	s8 =	sshrl.u32 s8, $0x7;
	v2 =	vmul.f32 v2, v3  }
0x12f: {  	s8 =	smul.u32 $0xFFFFF9C0, s8  }
0x130: {  	v2 =	vadd.f32 v2, v4  }
0x131: {  	s14 =	sadd.s32 $0x10, s14;
	v3 =	vld [tilespmem:s9+$0x2780];
	s8 =	sshra.s32 s8, $0x2  }
0x132: {  	s8 =	sadd.s32 s8, s14;
	[tilespmem:s7+$0x7680] =	vst v2  }
0x133: {  	v2 =	vld [tilespmem:s8+$0x0];
	_ =	sdelay $0x1  }
0x134: {  	v4 =	vpop (erf)  }
0x135: {  	v3 =	vmul.f32 v4, v3;
	_ =	sdelay $0x1  }
0x136: {  	v2 =	vadd.f32 v3, v2;
	_ =	sdelay $0x1  }
0x137: {  	s13 =	simm.s32 $0x0;
	[tilespmem:s9+$0x7680] =	vst v2  }
0x138: {  	[hbm4b:s15+s13] =	stream.linear.scatter [tilespmem:s5], [sflag:$0x1], $0x2710, $0x38;
	[tilespmem:$0x164D0] =	vst v63  }
0x139: {  	_ =	swait.ge [sflag:s0], $0x2710  }
0x13a: {  	[sflag:s0] =	ssyncset.done $0x0  }
0x13b: {  	[sflag:s0] =	ssyncadd.s32 $0xFFFFD8F0  }
0x13c: {  	[tilespmem:s18], [sflag:$0x1] =	stream.linear.gather [spmem:s22], $0x2710, $0x38;
	[tilespmem:$0x164D0] =	vst v63  }
0x13d: {  	_ =	swait.ge [sflag:s0], $0x2710  }
0x13e: {  	[sflag:s0] =	ssyncset.done $0x0  }
0x13f: {  	[sflag:s0] =	ssyncadd.s32 $0xFFFFD8F0  }
0x140: {  	[tilespmem:s4], [sflag:$0x1] =	stream.linear.gather [spmem:s23], $0x2710, $0x38;
	[tilespmem:$0x164D0] =	vst v63  }
0x141: {  	_ =	swait.ge [sflag:s0], $0x2710  }
0x142: {  	[sflag:s0] =	ssyncset.done $0x0  }
0x143: {  	s8 =	simm.s32 $0x0;
	[sflag:s0] =	ssyncadd.s32 $0xFFFFD8F0  }
0x144: {  	v2 =	vld [tilespmem:s8+$0x4F00];
	_ =	sdelay $0x4  }
0x145: {  	v2 =	vmax.f32 v2, $1.000000000e+00  }
0x146: {  	s14 =	smulhi.u32 $0x51EB851F, s16;
	s7 =	simm.s32 $0x10;
	(erf) = vrcp.f32 v2  }
0x147: {  	v3 =	vld [tilespmem:s7+$0x4F00]  }
0x148: {  	s9 =	sshrl.u32 s14, $0x7  }
0x149: {  	s9 =	smul.u32 $0xFFFFF9C0, s9;
	_ =	sdelay $0x1  }
0x14a: {  	s9 =	sshra.s32 s9, $0x2;
	v2 =	vld [tilespmem:s8+$0x2780]  }
0x14b: {  	s9 =	sadd.s32 s9, s31;
	v4 =	vmax.f32 v3, $1.000000000e+00  }
0x14c: {  	s10 =	sadd.s32 $0x10, s16;
	v3 =	vld [tilespmem:s9+$0x0]  }
0x14d: {  	s14 =	smulhi.u32 $0x51EB851F, s10;
	(erf) = vrcp.f32 v4  }
0x14e: {  	s30 =	smov.u32 s31;
	s13 =	simm.s32 $0xC0;
	s9 =	simm.s32 $0x20;
	v4 =	vpop (erf)  }
.LBB2_16:
0x14f: {  	p0 =	sne.s32 s13, $0x9C00;
	v5 =	vld [tilespmem:s9+$0x4F00];
	s14 =	sshrl.u32 s14, $0x7;
	v2 =	vmul.f32 v4, v2  }
0x150: {  	s14 =	smul.u32 $0xFFFFF9C0, s14  }
0x151: {  	v3 =	vadd.f32 v2, v3  }
.Ltmp7:
0x152: {  	s30 =	sadd.s32 $0x10, s30;
	s14 =	sshra.s32 s14, $0x2;
	v2 =	vld [tilespmem:s7+$0x2780];
	(pc) =	sbr.rel @p0 .LBB2_16-.Ltmp7, $4  }
0x153: {  	s14 =	sadd.s32 s14, s30;
	[tilespmem:s8+$0x7680] =	vst v3;
	s8 =	smov.u32 s7;
	s7 =	smov.u32 s9  }
0x154: {  	s10 =	sadd.s32 $0x10, s10;
	v5 =	vmax.f32 v5, $1.000000000e+00;
	v3 =	vld [tilespmem:s14+$0x0]  }
0x155: {  	s14 =	smulhi.u32 $0x51EB851F, s10;
	(erf) = vrcp.f32 v5  }
0x156: {  	s9 =	sshra.s32 s13, $0x2;
	s13 =	sadd.s32 $0x40, s13;
	v4 =	vpop (erf)  }
0x157: {  	v5 =	vld [tilespmem:s9+$0x4F00]  }
0x158: {  	s13 =	sshrl.u32 s14, $0x7;
	v2 =	vmul.f32 v4, v2  }
0x159: {  	s13 =	smul.u32 $0xFFFFF9C0, s13  }
0x15a: {  	v2 =	vadd.f32 v2, v3  }
0x15b: {  	s30 =	sadd.s32 $0x10, s30;
	v3 =	vld [tilespmem:s7+$0x2780];
	s13 =	sshra.s32 s13, $0x2  }
0x15c: {  	s13 =	sadd.s32 s13, s30;
	[tilespmem:s8+$0x7680] =	vst v2;
	v2 =	vmax.f32 v5, $1.000000000e+00  }
0x15d: {  	v4 =	vld [tilespmem:s13+$0x0];
	s13 =	sadd.s32 $0x10, s10  }
0x15e: {  	s8 =	smulhi.u32 $0x51EB851F, s13;
	(erf) = vrcp.f32 v2  }
0x15f: {  	v2 =	vpop (erf)  }
0x160: {  	s8 =	sshrl.u32 s8, $0x7;
	v2 =	vmul.f32 v2, v3  }
0x161: {  	s8 =	smul.u32 $0xFFFFF9C0, s8  }
0x162: {  	v2 =	vadd.f32 v2, v4  }
0x163: {  	s30 =	sadd.s32 $0x10, s30;
	v3 =	vld [tilespmem:s9+$0x2780];
	s8 =	sshra.s32 s8, $0x2  }
0x164: {  	s8 =	sadd.s32 s8, s30;
	[tilespmem:s7+$0x7680] =	vst v2  }
0x165: {  	v2 =	vld [tilespmem:s8+$0x0];
	_ =	sdelay $0x1  }
0x166: {  	v4 =	vpop (erf)  }
0x167: {  	v3 =	vmul.f32 v4, v3;
	_ =	sdelay $0x1  }
0x168: {  	v2 =	vadd.f32 v3, v2;
	_ =	sdelay $0x1  }
0x169: {  	[tilespmem:s9+$0x7680] =	vst v2;
	s9 =	simm.s32 $0x0  }
0x16a: {  	[hbm4b:s19+s9] =	stream.linear.scatter [tilespmem:s5], [sflag:$0x1], $0x2710, $0x38;
	[tilespmem:$0x164D0] =	vst v63  }
0x16b: {  	_ =	swait.ge [sflag:s0], $0x2710  }
0x16c: {  	[sflag:s0] =	ssyncset.done $0x0  }
0x16d: {  	[sflag:s0] =	ssyncadd.s32 $0xFFFFD8F0  }
0x16e: {  	[tilespmem:s18], [sflag:$0x1] =	stream.linear.gather [spmem:s26], $0x1388, $0x38;
	[tilespmem:$0x164D0] =	vst v63  }
0x16f: {  	_ =	swait.ge [sflag:s0], $0x1388  }
0x170: {  	[sflag:s0] =	ssyncset.done $0x0  }
0x171: {  	[sflag:s0] =	ssyncadd.s32 $0xFFFFEC78  }
0x172: {  	[tilespmem:s4], [sflag:$0x1] =	stream.linear.gather [spmem:s28], $0x1388, $0x38;
	[tilespmem:$0x164D0] =	vst v63  }
0x173: {  	_ =	swait.ge [sflag:s0], $0x1388  }
0x174: {  	[sflag:s0] =	ssyncset.done $0x0  }
0x175: {  	s8 =	smin.u32 s9, $0x1378;
	[sflag:s0] =	ssyncadd.s32 $0xFFFFEC78  }
0x176: {  	v2 =	vld [tilespmem:s8+$0x4F00];
	_ =	sdelay $0x4  }
0x177: {  	s10 =	simm.s32 $0x10;
	v2 =	vmax.f32 v2, $1.000000000e+00  }
0x178: {  	s7 =	smin.u32 s10, $0x1378;
	s13 =	sadd.s32 s8, s17;
	(erf) = vrcp.f32 v2  }
0x179: {  	s14 =	smulhi.u32 $0xA3D70B, s13;
	v3 =	vld [tilespmem:s7+$0x4F00];
	_ =	sdelay $0x1  }
0x17a: {  	s10 =	smul.u32 $0x190, s14;
	_ =	sdelay $0x1  }
0x17b: {  	s9 =	ssub.s32 s13, s10;
	v2 =	vld [tilespmem:s8+$0x2780]  }
0x17c: {  	s9 =	sor.u32 $0x9E00, s9;
	v4 =	vmax.f32 v3, $1.000000000e+00  }
0x17d: {  	v3 =	vld [tilespmem:s9+$0x0]  }
0x17e: {  	s30 =	simm.s32 $0x20;
	s10 =	sadd.s32 s7, s17;
	(erf) = vrcp.f32 v4  }
0x17f: {  	s13 =	simm.s32 $0x30;
	s14 =	smulhi.u32 $0xA3D70B, s10;
	s9 =	smin.u32 s30, $0x1378;
	v4 =	vpop (erf)  }
.LBB2_18:
0x180: {  	p0 =	sne.s32 s13, $0x1380;
	v5 =	vld [tilespmem:s9+$0x4F00];
	v2 =	vmul.f32 v4, v2  }
0x181: {  	s14 =	smul.u32 $0x190, s14  }
0x182: {  	v3 =	vadd.f32 v2, v3  }
.Ltmp8:
0x183: {  	v2 =	vld [tilespmem:s7+$0x2780];
	s10 =	ssub.s32 s10, s14;
	(pc) =	sbr.rel @p0 .LBB2_18-.Ltmp8, $4  }
0x184: {  	s10 =	sor.u32 $0x9E00, s10;
	[tilespmem:s8+$0x7680] =	vst v3;
	s8 =	smov.u32 s7;
	s7 =	smov.u32 s9  }
0x185: {  	v5 =	vmax.f32 v5, $1.000000000e+00;
	v3 =	vld [tilespmem:s10+$0x0]  }
0x186: {  	s10 =	sadd.s32 s7, s17;
	(erf) = vrcp.f32 v5  }
0x187: {  	s9 =	smin.u32 s13, $0x1378;
	s13 =	sadd.s32 $0x10, s13;
	s14 =	smulhi.u32 $0xA3D70B, s10;
	v4 =	vpop (erf)  }
0x188: {  	v5 =	vld [tilespmem:s9+$0x4F00]  }
0x189: {  	v2 =	vmul.f32 v4, v2  }
0x18a: {  	s13 =	smul.u32 $0x190, s14  }
0x18b: {  	v2 =	vadd.f32 v2, v3  }
0x18c: {  	v3 =	vld [tilespmem:s7+$0x2780];
	s10 =	ssub.s32 s10, s13  }
0x18d: {  	s10 =	sor.u32 $0x9E00, s10;
	[tilespmem:s8+$0x7680] =	vst v2;
	v2 =	vmax.f32 v5, $1.000000000e+00  }
0x18e: {  	v62 =	vld [tilespmem:s10+$0x0]  }
0x18f: {  	s13 =	sadd.s32 s9, s17;
	(erf) = vrcp.f32 v2  }
0x190: {  	s14 =	smulhi.u32 $0xA3D70B, s13;
	v2 =	vpop (erf)  }
0x191: {  	v2 =	vmul.f32 v2, v3  }
0x192: {  	s10 =	smul.u32 $0x190, s14  }
0x193: {  	v2 =	vadd.f32 v2, v62  }
0x194: {  	s8 =	ssub.s32 s13, s10;
	v3 =	vld [tilespmem:s9+$0x2780]  }
0x195: {  	s8 =	sor.u32 $0x9E00, s8;
	[tilespmem:s7+$0x7680] =	vst v2  }
0x196: {  	v2 =	vld [tilespmem:s8+$0x0];
	_ =	sdelay $0x1  }
0x197: {  	v63 =	vpop (erf)  }
0x198: {  	v3 =	vmul.f32 v63, v3;
	_ =	sdelay $0x1  }
0x199: {  	s6 =	sadd.s32 $0x1, s6;
	v2 =	vadd.f32 v3, v2  }
0x19a: {  	p0 =	sne.s32 s6, s29  }
.Ltmp9:
0x19b: {  	s30 =	simm.s32 $0x0;
	[tilespmem:s9+$0x7680] =	vst v2;
	(pc) =	sbr.rel @p0 .LBB2_1-.Ltmp9, $4  }
0x19c: {  	[hbm4b:s20+s30] =	stream.linear.scatter [tilespmem:s5], [sflag:$0x1], $0x1388, $0x38;
	[tilespmem:$0x164D0] =	vst v63  }
0x19d: {  	_ =	swait.ge [sflag:s0], $0x1388  }
0x19e: {  	[sflag:s0] =	ssyncset.done $0x0  }
0x19f: {  	[sflag:s0] =	ssyncadd.s32 $0xFFFFEC78  }
0x1a0: {  	_ =	sfence.sel $0x180000  }
0x1a1: {  	[bflag:$0x0] =	sbarrier.arrive $0xFFFF  }
0x1a2: {  	_ =	strace $0x90000047  }
0x1a3: {  	s0 =	stileid.u32;
	[bflag:$0x2] =	sbarrier.arrive $0xFFFF  }
0x1a4: {  	p0 =	sne.s32 s0, $0x0;
	s0 =	rddreg [dreg:$0x5]  }
0x1a5: {  	s0 =	sadd.s32 @!p0 $0x100000, s0  }
0x1a6: {  	[sflag:s0] =	ssyncadd.tile.s32 @!p0 $0x1;
	_ =	shalt  }
.Lfunc_end2:
_tile_overlayer_lowered:
.L_overlay_start_2:
0x1a7: {  	(tag) =	ssettag $0x2  }
0x1a8: {  	s0 =	rddreg [dreg:$0x0];
	s2 =	stileid.u32  }
0x1a9: {  	s1 =	rddreg [dreg:$0x1];
	p0 =	sne.s32 s2, $0x0  }
0x1aa: {  	s3 =	rddreg [dreg:$0x2];
	[bflag:$0x3] =	sbarrier.arrive $0xFFFF;
	s2 =	simm.s32 @!p0 $0x1C01  }
0x1ab: {  	[timem:s3], [sflag:s2] =	dma.local @!p0 [hbm:s0], s1  }
0x1ac: {  	s0 =	simm.s32 @!p0 $0x1  }
0x1ad: {  	_ =	swait.ge @!p0 [sflag:s0], s1  }
0x1ae: {  	s1 =	ssub.s32 @!p0 $0x0, s1;
	[sflag:s0] =	ssyncset.done @!p0 $0x0  }
0x1af: {  	[sflag:s0] =	ssyncadd.s32 @!p0 s1  }
0x1b0: {  	[bflag:$0x3] =	sbarrier.arrive $0xFFFF  }
0x1b1: {  	_ =	shalt  }

</sc_bundles>
